<compile_context>
chip_gen: v7x
topology: tpu7x:2x2x1
jax: 0.10.2.dev20260603
libtpu: 0.0.44.dev20260713+nightly
codegen_flags: <defaults>
</compile_context>

<pallas_src>
import functools

import jax
import jax.numpy as jnp
from jax import lax
from jax.experimental import pallas as pl
from jax.experimental.pallas import tpu as pltpu
from jax.experimental.pallas import tpu_sc as plsc

E = 320000
V = 10000
D = 128
L = 16
NC = 2
NS = 16
NW = NC * NS
EPW = E // NW
C = 40
IB = EPW
NB = EPW // IB
NCB = IB // C
DL = D // L

_mesh = plsc.VectorSubcoreMesh(core_axis_name="c", subcore_axis_name="s")


@functools.partial(
    pl.kernel,
    mesh=_mesh,
    out_type=[
        jax.ShapeDtypeStruct((NW, L), jnp.float32),
        jax.ShapeDtypeStruct((NW, L), jnp.float32),
    ],
    scratch_types=[
        pltpu.VMEM_SHARED((V, D), jnp.float32),
        pltpu.VMEM((IB,), jnp.int32),
        pltpu.VMEM((IB,), jnp.int32),
        pltpu.VMEM((C, D), jnp.float32),
        pltpu.VMEM((C, D), jnp.float32),
        pltpu.VMEM((C, D), jnp.float32),
        pltpu.VMEM((C, D), jnp.float32),
        pltpu.VMEM((L,), jnp.float32),
        pltpu.VMEM((L,), jnp.float32),
        pltpu.SemaphoreType.DMA,
        pltpu.SemaphoreType.DMA,
    ],
)
def _edge_partials(pred_hbm, src_hbm, dst_hbm, sum_out, cnt_out,
                   pred_sp, sidx, didx, srowsA, drowsA, srowsB, drowsB,
                   sum_v, cnt_v, semA, semB):
    sid = lax.axis_index("s")
    wid = sid * NC + lax.axis_index("c")
    base0 = wid * EPW
    zeros = jnp.zeros((L,), jnp.float32)

    vps = 632

    @pl.when(sid < NS - 1)
    def _copy_main():
        pltpu.sync_copy(pred_hbm.at[pl.ds(sid * vps, vps)],
                        pred_sp.at[pl.ds(sid * vps, vps)])

    @pl.when(sid == NS - 1)
    def _copy_tail():
        pltpu.sync_copy(pred_hbm.at[pl.ds((NS - 1) * vps, V - (NS - 1) * vps)],
                        pred_sp.at[pl.ds((NS - 1) * vps, V - (NS - 1) * vps)])

    plsc.subcore_barrier()

    def issue(chunk, srows, drows, sem):
        pltpu.async_copy(pred_sp.at[sidx.at[pl.ds(chunk * C, C)]], srows, sem)
        pltpu.async_copy(pred_sp.at[didx.at[pl.ds(chunk * C, C)]], drows, sem)

    def drain(srows, drows, sem):
        pltpu.make_async_copy(pred_sp.at[pl.ds(0, C)], srows, sem).wait()
        pltpu.make_async_copy(pred_sp.at[pl.ds(0, C)], drows, sem).wait()

    def accum(srows, drows, accs):
        def edge_body(e, accs):
            new = []
            for j in range(DL):
                a = srows[e, pl.ds(j * L, L)]
                b = drows[e, pl.ds(j * L, L)]
                diff = a - b
                new.append(accs[j] + diff * diff)
            return tuple(new)
        return tuple(lax.fori_loop(0, C, edge_body, accs))

    accs = tuple(zeros for _ in range(DL))
    cnt = zeros

    for b in range(NB):
        base = base0 + b * IB
        pltpu.sync_copy(src_hbm.at[pl.ds(base, IB)], sidx)
        pltpu.sync_copy(dst_hbm.at[pl.ds(base, IB)], didx)

        issue(0, srowsA, drowsA, semA)

        def cnt_body(k, c):
            s = sidx[pl.ds(k * L, L)]
            d = didx[pl.ds(k * L, L)]
            m = (s != 0) | (d != 0)
            return c + jnp.where(m, 1.0, 0.0)

        cnt = lax.fori_loop(0, IB // L, cnt_body, cnt)

        def pair_body(g, accs):
            issue(2 * g + 1, srowsB, drowsB, semB)
            drain(srowsA, drowsA, semA)
            accs = accum(srowsA, drowsA, accs)

            @pl.when(2 * g + 2 < NCB)
            def _issue_next():
                issue(2 * g + 2, srowsA, drowsA, semA)

            drain(srowsB, drowsB, semB)
            return accum(srowsB, drowsB, accs)

        accs = lax.fori_loop(0, NCB // 2, pair_body, accs)

    tot = accs[0]
    for j in range(1, DL):
        tot = tot + accs[j]
    sum_v[...] = tot
    cnt_v[...] = cnt
    pltpu.sync_copy(sum_v, sum_out.at[wid])
    pltpu.sync_copy(cnt_v, cnt_out.at[wid])


def _finalize_body(sums_ref, cnts_ref, out_ref):
    out_ref[0, 0] = jnp.sum(sums_ref[...]) / jnp.sum(cnts_ref[...])


_finalize = pl.pallas_call(
    _finalize_body,
    out_shape=jax.ShapeDtypeStruct((1, 1), jnp.float32),
    in_specs=[
        pl.BlockSpec(memory_space=pltpu.VMEM),
        pl.BlockSpec(memory_space=pltpu.VMEM),
    ],
    out_specs=pl.BlockSpec(memory_space=pltpu.SMEM),
)


def kernel(pred, edge_list):
    src = edge_list[0]
    dst = edge_list[1]
    sums, cnts = _edge_partials(pred, src, dst)
    return _finalize(sums, cnts)[0, 0]

# --- scband reference (transcript-rebuilt; emitter-appended) ---
"""Pipeline reference for scband-edge-loss-30940944401064 (READ-ONLY COPY).

The authoritative reference and input builder live on the scoring server;
editing this copy changes nothing except your own understanding.
"""

import jax, jax.numpy as jnp
import numpy as np


def setup_inputs(seed: int = 0) -> dict:
    key = jax.random.key(seed)
    k1, k2 = jax.random.split(key)
    pred = jax.random.normal(k1, (10000, 128), dtype=jnp.float32)
    edge_list = jax.random.randint(k2, (2, 320000), 0, 10000, dtype=jnp.int64 if jax.config.jax_enable_x64 else jnp.int32)
    return {"pred": pred, "edge_list": edge_list}


def reference(pred, edge_list):
    # edge_mask = (edge_list[0] != 0) | (edge_list[1] != 0)
    edge_mask = (edge_list[0] != 0) | (edge_list[1] != 0)
    # gather rows of pred at src/dst indices and subtract
    edges = jnp.take(pred, edge_list[0], axis=0) - jnp.take(pred, edge_list[1], axis=0)
    loss = jnp.sum(edges ** 2, axis=1)
    # torch.mean(loss[edge_mask]) -> masked mean
    mask_f = edge_mask.astype(loss.dtype)
    return jnp.sum(loss * mask_f) / jnp.sum(mask_f)

if __name__ == "__main__":
    import jax
    _d = setup_inputs()
    print(jax.jit(kernel)(*tuple(_d.values())))

</pallas_src>

<mosaic_0001>
#map = affine_map<(d0, d1) -> (0, 0)>
#map1 = affine_map<(d0, d1) -> (0)>
module attributes {stable_mosaic.version = 14 : i64} {
  func.func @_edge_partials(%arg0: i32, %arg1: i32, %arg2: memref<10000x128xf32, #tpu.memory_space<hbm>>, %arg3: memref<320000xi32, #tpu.memory_space<hbm>>, %arg4: memref<320000xi32, #tpu.memory_space<hbm>>, %arg5: memref<32x16xf32, #tpu.memory_space<hbm>>, %arg6: memref<32x16xf32, #tpu.memory_space<hbm>>, %arg7: memref<10000x128xf32, #tpu.memory_space<vmem_shared>>, %arg8: memref<10000xi32, #tpu.memory_space<vmem>>, %arg9: memref<10000xi32, #tpu.memory_space<vmem>>, %arg10: memref<40x128xf32, #tpu.memory_space<vmem>>, %arg11: memref<40x128xf32, #tpu.memory_space<vmem>>, %arg12: memref<40x128xf32, #tpu.memory_space<vmem>>, %arg13: memref<40x128xf32, #tpu.memory_space<vmem>>, %arg14: memref<16xf32, #tpu.memory_space<vmem>>, %arg15: memref<16xf32, #tpu.memory_space<vmem>>, %arg16: memref<!tpu.dma_semaphore, #tpu.memory_space<semaphore_mem>>, %arg17: memref<!tpu.dma_semaphore, #tpu.memory_space<semaphore_mem>>) attributes {dimension_semantics = [#tpu.dimension_semantics<core_parallel>, #tpu.dimension_semantics<subcore_parallel>], iteration_bounds = array<i64: 2, 16>, scalar_prefetch = 0 : i64, scratch_operands = 11 : i64, tpu.core_type = #tpu.core_type<sc_vector_subcore>, window_params = [{transform_indices = #map}, {transform_indices = #map1}, {transform_indices = #map1}, {transform_indices = #map}, {transform_indices = #map}]} {
    %mul3A = arith.constant 2 : i32
    %mul3A_0 = arith.muli %arg1, %mul3A : i32
    %add3A = arith.addi %mul3A_0, %arg0 : i32
    %mul3A_1 = arith.constant 10000 : i32
    %mul3A_2 = arith.muli %add3A, %mul3A_1 : i32
    %broadcast_in_dim3A = arith.constant 0.000000e+00 : f32
    %broadcast_in_dim3A_3 = vector.broadcast %broadcast_in_dim3A : f32 to vector<16xf32>
    %lt3A = arith.constant 15 : i32
    %lt3A_4 = arith.cmpi slt, %arg1, %lt3A : i32
    %convert_element_type3A = arith.extui %lt3A_4 : i1 to i32
    %cond3A = arith.constant 0 : i32
    %cond3A_5 = arith.cmpi ne, %convert_element_type3A, %cond3A : i32
    scf.if %cond3A_5 {
      %mul3A_46 = arith.constant 632 : i32
      %mul3A_47 = arith.muli %arg1, %mul3A_46 : i32
      %mul3A_48 = arith.constant 632 : i32
      %mul3A_49 = arith.muli %arg1, %mul3A_48 : i32
      "tpu.region"() ({
        %run_scoped3A = tpu.sem_alloc : memref<!tpu.dma_semaphore, #tpu.memory_space<semaphore_mem>>
        %dma_start3A_50 = arith.constant 0 : i32
        %dma_start3A_51 = tpu.memref_slice %arg7[%mul3A_49, %dma_start3A_50] : memref<10000x128xf32, #tpu.memory_space<vmem_shared>> -> memref<632x128xf32, #tpu.memory_space<vmem_shared>>
        %dma_start3A_52 = arith.constant 0 : i32
        %dma_start3A_53 = tpu.memref_slice %arg2[%mul3A_47, %dma_start3A_52] : memref<10000x128xf32, #tpu.memory_space<hbm>> -> memref<632x128xf32, #tpu.memory_space<hbm>>
        tpu.enqueue_dma source(%dma_start3A_53 : memref<632x128xf32, #tpu.memory_space<hbm>>) target(%dma_start3A_51 : memref<632x128xf32, #tpu.memory_space<vmem_shared>>) target_semaphore(%run_scoped3A : memref<!tpu.dma_semaphore, #tpu.memory_space<semaphore_mem>>)
        %dma_wait3A = arith.constant 0 : i32
        %dma_wait3A_54 = tpu.memref_slice %arg7[%mul3A_49, %dma_wait3A] : memref<10000x128xf32, #tpu.memory_space<vmem_shared>> -> memref<632x128xf32, #tpu.memory_space<vmem_shared>>
        %dma_wait3A_55 = arith.constant 0 : i32
        %dma_wait3A_56 = tpu.memref_slice %arg2[%mul3A_47, %dma_wait3A_55] : memref<10000x128xf32, #tpu.memory_space<hbm>> -> memref<632x128xf32, #tpu.memory_space<hbm>>
        tpu.wait_dma2 semaphore(%run_scoped3A : memref<!tpu.dma_semaphore, #tpu.memory_space<semaphore_mem>>) src(%dma_wait3A_56 : memref<632x128xf32, #tpu.memory_space<hbm>>) dst(%dma_wait3A_54 : memref<632x128xf32, #tpu.memory_space<vmem_shared>>)
        tpu.yield
      }) : () -> ()
    } else {
    }
    %eq3A = arith.constant 15 : i32
    %eq3A_6 = arith.cmpi eq, %arg1, %eq3A : i32
    %convert_element_type3A_7 = arith.extui %eq3A_6 : i1 to i32
    %cond3A_8 = arith.constant 0 : i32
    %cond3A_9 = arith.cmpi ne, %convert_element_type3A_7, %cond3A_8 : i32
    scf.if %cond3A_9 {
      "tpu.region"() ({
        %run_scoped3A = tpu.sem_alloc : memref<!tpu.dma_semaphore, #tpu.memory_space<semaphore_mem>>
        %dma_start3A_46 = arith.constant 9480 : i32
        %dma_start3A_47 = arith.constant 0 : i32
        %dma_start3A_48 = tpu.memref_slice %arg7[%dma_start3A_46, %dma_start3A_47] : memref<10000x128xf32, #tpu.memory_space<vmem_shared>> -> memref<520x128xf32, #tpu.memory_space<vmem_shared>>
        %dma_start3A_49 = arith.constant 9480 : i32
        %dma_start3A_50 = arith.constant 0 : i32
        %dma_start3A_51 = tpu.memref_slice %arg2[%dma_start3A_49, %dma_start3A_50] : memref<10000x128xf32, #tpu.memory_space<hbm>> -> memref<520x128xf32, #tpu.memory_space<hbm>>
        tpu.enqueue_dma source(%dma_start3A_51 : memref<520x128xf32, #tpu.memory_space<hbm>>) target(%dma_start3A_48 : memref<520x128xf32, #tpu.memory_space<vmem_shared>>) target_semaphore(%run_scoped3A : memref<!tpu.dma_semaphore, #tpu.memory_space<semaphore_mem>>)
        %dma_wait3A = arith.constant 9480 : i32
        %dma_wait3A_52 = arith.constant 0 : i32
        %dma_wait3A_53 = tpu.memref_slice %arg7[%dma_wait3A, %dma_wait3A_52] : memref<10000x128xf32, #tpu.memory_space<vmem_shared>> -> memref<520x128xf32, #tpu.memory_space<vmem_shared>>
        %dma_wait3A_54 = arith.constant 9480 : i32
        %dma_wait3A_55 = arith.constant 0 : i32
        %dma_wait3A_56 = tpu.memref_slice %arg2[%dma_wait3A_54, %dma_wait3A_55] : memref<10000x128xf32, #tpu.memory_space<hbm>> -> memref<520x128xf32, #tpu.memory_space<hbm>>
        tpu.wait_dma2 semaphore(%run_scoped3A : memref<!tpu.dma_semaphore, #tpu.memory_space<semaphore_mem>>) src(%dma_wait3A_56 : memref<520x128xf32, #tpu.memory_space<hbm>>) dst(%dma_wait3A_53 : memref<520x128xf32, #tpu.memory_space<vmem_shared>>)
        tpu.yield
      }) : () -> ()
    } else {
    }
    %barrier3A = arith.constant 0 : index
    tpu.barrier barrier_id(%barrier3A)
    %add3A_10 = arith.constant 0 : i32
    %add3A_11 = arith.addi %mul3A_2, %add3A_10 : i32
    "tpu.region"() ({
      %run_scoped3A = tpu.sem_alloc : memref<!tpu.dma_semaphore, #tpu.memory_space<semaphore_mem>>
      %dma_start3A_46 = tpu.memref_slice %arg3[%add3A_11] : memref<320000xi32, #tpu.memory_space<hbm>> -> memref<10000xi32, #tpu.memory_space<hbm>>
      %dma_start3A_47 = tpu.memref_slice %arg3[%add3A_11] : memref<320000xi32, #tpu.memory_space<hbm>> -> memref<10000xi32, #tpu.memory_space<hbm>>
      tpu.enqueue_dma source(%dma_start3A_47 : memref<10000xi32, #tpu.memory_space<hbm>>) target(%arg8 : memref<10000xi32, #tpu.memory_space<vmem>>) target_semaphore(%run_scoped3A : memref<!tpu.dma_semaphore, #tpu.memory_space<semaphore_mem>>)
      %dma_wait3A = tpu.memref_slice %arg3[%add3A_11] : memref<320000xi32, #tpu.memory_space<hbm>> -> memref<10000xi32, #tpu.memory_space<hbm>>
      %dma_wait3A_48 = tpu.memref_slice %arg3[%add3A_11] : memref<320000xi32, #tpu.memory_space<hbm>> -> memref<10000xi32, #tpu.memory_space<hbm>>
      tpu.wait_dma2 semaphore(%run_scoped3A : memref<!tpu.dma_semaphore, #tpu.memory_space<semaphore_mem>>) src(%dma_wait3A_48 : memref<10000xi32, #tpu.memory_space<hbm>>) dst(%arg8 : memref<10000xi32, #tpu.memory_space<vmem>>)
      tpu.yield
    }) : () -> ()
    "tpu.region"() ({
      %run_scoped3A = tpu.sem_alloc : memref<!tpu.dma_semaphore, #tpu.memory_space<semaphore_mem>>
      %dma_start3A_46 = tpu.memref_slice %arg4[%add3A_11] : memref<320000xi32, #tpu.memory_space<hbm>> -> memref<10000xi32, #tpu.memory_space<hbm>>
      %dma_start3A_47 = tpu.memref_slice %arg4[%add3A_11] : memref<320000xi32, #tpu.memory_space<hbm>> -> memref<10000xi32, #tpu.memory_space<hbm>>
      tpu.enqueue_dma source(%dma_start3A_47 : memref<10000xi32, #tpu.memory_space<hbm>>) target(%arg9 : memref<10000xi32, #tpu.memory_space<vmem>>) target_semaphore(%run_scoped3A : memref<!tpu.dma_semaphore, #tpu.memory_space<semaphore_mem>>)
      %dma_wait3A = tpu.memref_slice %arg4[%add3A_11] : memref<320000xi32, #tpu.memory_space<hbm>> -> memref<10000xi32, #tpu.memory_space<hbm>>
      %dma_wait3A_48 = tpu.memref_slice %arg4[%add3A_11] : memref<320000xi32, #tpu.memory_space<hbm>> -> memref<10000xi32, #tpu.memory_space<hbm>>
      tpu.wait_dma2 semaphore(%run_scoped3A : memref<!tpu.dma_semaphore, #tpu.memory_space<semaphore_mem>>) src(%dma_wait3A_48 : memref<10000xi32, #tpu.memory_space<hbm>>) dst(%arg9 : memref<10000xi32, #tpu.memory_space<vmem>>)
      tpu.yield
    }) : () -> ()
    %dma_start3A = arith.constant 0 : i32
    %dma_start3A_12 = tpu.memref_slice %arg8[%dma_start3A] : memref<10000xi32, #tpu.memory_space<vmem>> -> memref<40xi32, #tpu.memory_space<vmem>>
    %dma_start3A_13 = arith.constant 0 : i32
    %dma_start3A_14 = arith.constant 0 : i32
    %dma_start3A_15 = tpu.memref_slice %arg7[%dma_start3A_13, %dma_start3A_14] : memref<10000x128xf32, #tpu.memory_space<vmem_shared>> -> memref<10000x128xf32, #tpu.memory_space<vmem_shared>>
    tpu.enqueue_indirect_dma source(%dma_start3A_15 : memref<10000x128xf32, #tpu.memory_space<vmem_shared>>) target(%arg10 : memref<40x128xf32, #tpu.memory_space<vmem>>) offsets(%dma_start3A_12 : memref<40xi32, #tpu.memory_space<vmem>>) semaphore(%arg16 : memref<!tpu.dma_semaphore, #tpu.memory_space<semaphore_mem>>)
    %dma_start3A_16 = arith.constant 0 : i32
    %dma_start3A_17 = tpu.memref_slice %arg9[%dma_start3A_16] : memref<10000xi32, #tpu.memory_space<vmem>> -> memref<40xi32, #tpu.memory_space<vmem>>
    %dma_start3A_18 = arith.constant 0 : i32
    %dma_start3A_19 = arith.constant 0 : i32
    %dma_start3A_20 = tpu.memref_slice %arg7[%dma_start3A_18, %dma_start3A_19] : memref<10000x128xf32, #tpu.memory_space<vmem_shared>> -> memref<10000x128xf32, #tpu.memory_space<vmem_shared>>
    tpu.enqueue_indirect_dma source(%dma_start3A_20 : memref<10000x128xf32, #tpu.memory_space<vmem_shared>>) target(%arg11 : memref<40x128xf32, #tpu.memory_space<vmem>>) offsets(%dma_start3A_17 : memref<40xi32, #tpu.memory_space<vmem>>) semaphore(%arg16 : memref<!tpu.dma_semaphore, #tpu.memory_space<semaphore_mem>>)
    %scan3A = arith.constant 0 : i32
    %scan3A_21 = arith.constant 625 : i32
    %scan3A_22 = arith.addi %scan3A, %scan3A_21 : i32
    %scan3A_23 = arith.constant 1 : i32
    %scan3A_24 = scf.for %scan3A_46 = %scan3A to %scan3A_22 step %scan3A_23 iter_args(%scan3A_47 = %broadcast_in_dim3A_3) -> (vector<16xf32>)  : i32 {
      %mul3A_48 = arith.constant 16 : i32
      %mul3A_49 = arith.muli %scan3A_46, %mul3A_48 : i32
      %get3A = arith.index_cast %mul3A_49 : i32 to index
      %get3A_50 = tpu.vector_load %arg8[%get3A] {strides = array<i32>} : memref<10000xi32, #tpu.memory_space<vmem>>, vector<16xi32>,
      %get3A_51 = vector.shape_cast %get3A_50 : vector<16xi32> to vector<16xi32>
      %mul3A_52 = arith.constant 16 : i32
      %mul3A_53 = arith.muli %scan3A_46, %mul3A_52 : i32
      %get3A_54 = arith.index_cast %mul3A_53 : i32 to index
      %get3A_55 = tpu.vector_load %arg9[%get3A_54] {strides = array<i32>} : memref<10000xi32, #tpu.memory_space<vmem>>, vector<16xi32>,
      %get3A_56 = vector.shape_cast %get3A_55 : vector<16xi32> to vector<16xi32>
      %ne3A = arith.constant 0 : i32
      %ne3A_57 = vector.broadcast %ne3A : i32 to vector<16xi32>
      %ne3A_58 = arith.cmpi ne, %get3A_51, %ne3A_57 : vector<16xi32>
      %ne3A_59 = arith.constant 0 : i32
      %ne3A_60 = vector.broadcast %ne3A_59 : i32 to vector<16xi32>
      %ne3A_61 = arith.cmpi ne, %get3A_56, %ne3A_60 : vector<16xi32>
      %or3A = arith.ori %ne3A_58, %ne3A_61 : vector<16xi1>
      %jit3A = arith.constant 1.000000e+00 : f32
      %jit3A_62 = arith.constant 0.000000e+00 : f32
      %broadcast_in_dim3A_63 = vector.broadcast %jit3A : f32 to vector<16xf32>
      %broadcast_in_dim3A_64 = vector.broadcast %jit3A_62 : f32 to vector<16xf32>
      %select_n3A = arith.select %or3A, %broadcast_in_dim3A_63, %broadcast_in_dim3A_64 : vector<16xi1>, vector<16xf32>
      %add3A_65 = arith.addf %scan3A_47, %select_n3A : vector<16xf32>
      scf.yield %add3A_65 : vector<16xf32>
    }
    %scan3A_25 = arith.constant 625 : i32
    %scan3A_26 = arith.constant 0 : i32
    %scan3A_27 = arith.constant 125 : i32
    %scan3A_28 = arith.addi %scan3A_26, %scan3A_27 : i32
    %scan3A_29 = arith.constant 1 : i32
    %scan3A_30:8 = scf.for %scan3A_46 = %scan3A_26 to %scan3A_28 step %scan3A_29 iter_args(%scan3A_47 = %broadcast_in_dim3A_3, %scan3A_48 = %broadcast_in_dim3A_3, %scan3A_49 = %broadcast_in_dim3A_3, %scan3A_50 = %broadcast_in_dim3A_3, %scan3A_51 = %broadcast_in_dim3A_3, %scan3A_52 = %broadcast_in_dim3A_3, %scan3A_53 = %broadcast_in_dim3A_3, %scan3A_54 = %broadcast_in_dim3A_3) -> (vector<16xf32>, vector<16xf32>, vector<16xf32>, vector<16xf32>, vector<16xf32>, vector<16xf32>, vector<16xf32>, vector<16xf32>)  : i32 {
      %mul3A_55 = arith.constant 2 : i32
      %mul3A_56 = arith.muli %mul3A_55, %scan3A_46 : i32
      %add3A_57 = arith.constant 1 : i32
      %add3A_58 = arith.addi %mul3A_56, %add3A_57 : i32
      %mul3A_59 = arith.constant 40 : i32
      %mul3A_60 = arith.muli %add3A_58, %mul3A_59 : i32
      %dma_start3A_61 = tpu.memref_slice %arg8[%mul3A_60] : memref<10000xi32, #tpu.memory_space<vmem>> -> memref<40xi32, #tpu.memory_space<vmem>>
      %dma_start3A_62 = arith.constant 0 : i32
      %dma_start3A_63 = arith.constant 0 : i32
      %dma_start3A_64 = tpu.memref_slice %arg7[%dma_start3A_62, %dma_start3A_63] : memref<10000x128xf32, #tpu.memory_space<vmem_shared>> -> memref<10000x128xf32, #tpu.memory_space<vmem_shared>>
      tpu.enqueue_indirect_dma source(%dma_start3A_64 : memref<10000x128xf32, #tpu.memory_space<vmem_shared>>) target(%arg12 : memref<40x128xf32, #tpu.memory_space<vmem>>) offsets(%dma_start3A_61 : memref<40xi32, #tpu.memory_space<vmem>>) semaphore(%arg17 : memref<!tpu.dma_semaphore, #tpu.memory_space<semaphore_mem>>)
      %mul3A_65 = arith.constant 40 : i32
      %mul3A_66 = arith.muli %add3A_58, %mul3A_65 : i32
      %dma_start3A_67 = tpu.memref_slice %arg9[%mul3A_66] : memref<10000xi32, #tpu.memory_space<vmem>> -> memref<40xi32, #tpu.memory_space<vmem>>
      %dma_start3A_68 = arith.constant 0 : i32
      %dma_start3A_69 = arith.constant 0 : i32
      %dma_start3A_70 = tpu.memref_slice %arg7[%dma_start3A_68, %dma_start3A_69] : memref<10000x128xf32, #tpu.memory_space<vmem_shared>> -> memref<10000x128xf32, #tpu.memory_space<vmem_shared>>
      tpu.enqueue_indirect_dma source(%dma_start3A_70 : memref<10000x128xf32, #tpu.memory_space<vmem_shared>>) target(%arg13 : memref<40x128xf32, #tpu.memory_space<vmem>>) offsets(%dma_start3A_67 : memref<40xi32, #tpu.memory_space<vmem>>) semaphore(%arg17 : memref<!tpu.dma_semaphore, #tpu.memory_space<semaphore_mem>>)
      %dma_wait3A = arith.constant 0 : i32
      %dma_wait3A_71 = arith.constant 0 : i32
      %dma_wait3A_72 = tpu.memref_slice %arg7[%dma_wait3A, %dma_wait3A_71] : memref<10000x128xf32, #tpu.memory_space<vmem_shared>> -> memref<40x128xf32, #tpu.memory_space<vmem_shared>>
      %dma_wait3A_73 = arith.constant 0 : i32
      %dma_wait3A_74 = arith.constant 0 : i32
      %dma_wait3A_75 = tpu.memref_slice %arg7[%dma_wait3A_73, %dma_wait3A_74] : memref<10000x128xf32, #tpu.memory_space<vmem_shared>> -> memref<40x128xf32, #tpu.memory_space<vmem_shared>>
      tpu.wait_dma2 semaphore(%arg16 : memref<!tpu.dma_semaphore, #tpu.memory_space<semaphore_mem>>) src(%dma_wait3A_75 : memref<40x128xf32, #tpu.memory_space<vmem_shared>>) dst(%arg10 : memref<40x128xf32, #tpu.memory_space<vmem>>)
      %dma_wait3A_76 = arith.constant 0 : i32
      %dma_wait3A_77 = arith.constant 0 : i32
      %dma_wait3A_78 = tpu.memref_slice %arg7[%dma_wait3A_76, %dma_wait3A_77] : memref<10000x128xf32, #tpu.memory_space<vmem_shared>> -> memref<40x128xf32, #tpu.memory_space<vmem_shared>>
      %dma_wait3A_79 = arith.constant 0 : i32
      %dma_wait3A_80 = arith.constant 0 : i32
      %dma_wait3A_81 = tpu.memref_slice %arg7[%dma_wait3A_79, %dma_wait3A_80] : memref<10000x128xf32, #tpu.memory_space<vmem_shared>> -> memref<40x128xf32, #tpu.memory_space<vmem_shared>>
      tpu.wait_dma2 semaphore(%arg16 : memref<!tpu.dma_semaphore, #tpu.memory_space<semaphore_mem>>) src(%dma_wait3A_81 : memref<40x128xf32, #tpu.memory_space<vmem_shared>>) dst(%arg11 : memref<40x128xf32, #tpu.memory_space<vmem>>)
      %scan3A_82 = arith.constant 0 : i32
      %scan3A_83 = arith.constant 40 : i32
      %scan3A_84 = arith.addi %scan3A_82, %scan3A_83 : i32
      %scan3A_85 = arith.constant 1 : i32
      %scan3A_86:8 = scf.for %scan3A_115 = %scan3A_82 to %scan3A_84 step %scan3A_85 iter_args(%scan3A_116 = %scan3A_47, %scan3A_117 = %scan3A_48, %scan3A_118 = %scan3A_49, %scan3A_119 = %scan3A_50, %scan3A_120 = %scan3A_51, %scan3A_121 = %scan3A_52, %scan3A_122 = %scan3A_53, %scan3A_123 = %scan3A_54) -> (vector<16xf32>, vector<16xf32>, vector<16xf32>, vector<16xf32>, vector<16xf32>, vector<16xf32>, vector<16xf32>, vector<16xf32>)  : i32 {
        %get3A = arith.index_cast %scan3A_115 : i32 to index
        %get3A_124 = arith.constant 0 : index
        %get3A_125 = tpu.vector_load %arg10[%get3A, %get3A_124] {strides = array<i32>} : memref<40x128xf32, #tpu.memory_space<vmem>>, vector<1x16xf32>,
        %get3A_126 = vector.shape_cast %get3A_125 : vector<1x16xf32> to vector<16xf32>
        %get3A_127 = arith.index_cast %scan3A_115 : i32 to index
        %get3A_128 = arith.constant 0 : index
        %get3A_129 = tpu.vector_load %arg11[%get3A_127, %get3A_128] {strides = array<i32>} : memref<40x128xf32, #tpu.memory_space<vmem>>, vector<1x16xf32>,
        %get3A_130 = vector.shape_cast %get3A_129 : vector<1x16xf32> to vector<16xf32>
        %sub3A = arith.subf %get3A_126, %get3A_130 : vector<16xf32>
        %mul3A_131 = arith.mulf %sub3A, %sub3A : vector<16xf32>
        %add3A_132 = arith.addf %scan3A_116, %mul3A_131 : vector<16xf32>
        %get3A_133 = arith.index_cast %scan3A_115 : i32 to index
        %get3A_134 = arith.constant 16 : index
        %get3A_135 = tpu.vector_load %arg10[%get3A_133, %get3A_134] {strides = array<i32>} : memref<40x128xf32, #tpu.memory_space<vmem>>, vector<1x16xf32>,
        %get3A_136 = vector.shape_cast %get3A_135 : vector<1x16xf32> to vector<16xf32>
        %get3A_137 = arith.index_cast %scan3A_115 : i32 to index
        %get3A_138 = arith.constant 16 : index
        %get3A_139 = tpu.vector_load %arg11[%get3A_137, %get3A_138] {strides = array<i32>} : memref<40x128xf32, #tpu.memory_space<vmem>>, vector<1x16xf32>,
        %get3A_140 = vector.shape_cast %get3A_139 : vector<1x16xf32> to vector<16xf32>
        %sub3A_141 = arith.subf %get3A_136, %get3A_140 : vector<16xf32>
        %mul3A_142 = arith.mulf %sub3A_141, %sub3A_141 : vector<16xf32>
        %add3A_143 = arith.addf %scan3A_117, %mul3A_142 : vector<16xf32>
        %get3A_144 = arith.index_cast %scan3A_115 : i32 to index
        %get3A_145 = arith.constant 32 : index
        %get3A_146 = tpu.vector_load %arg10[%get3A_144, %get3A_145] {strides = array<i32>} : memref<40x128xf32, #tpu.memory_space<vmem>>, vector<1x16xf32>,
        %get3A_147 = vector.shape_cast %get3A_146 : vector<1x16xf32> to vector<16xf32>
        %get3A_148 = arith.index_cast %scan3A_115 : i32 to index
        %get3A_149 = arith.constant 32 : index
        %get3A_150 = tpu.vector_load %arg11[%get3A_148, %get3A_149] {strides = array<i32>} : memref<40x128xf32, #tpu.memory_space<vmem>>, vector<1x16xf32>,
        %get3A_151 = vector.shape_cast %get3A_150 : vector<1x16xf32> to vector<16xf32>
        %sub3A_152 = arith.subf %get3A_147, %get3A_151 : vector<16xf32>
        %mul3A_153 = arith.mulf %sub3A_152, %sub3A_152 : vector<16xf32>
        %add3A_154 = arith.addf %scan3A_118, %mul3A_153 : vector<16xf32>
        %get3A_155 = arith.index_cast %scan3A_115 : i32 to index
        %get3A_156 = arith.constant 48 : index
        %get3A_157 = tpu.vector_load %arg10[%get3A_155, %get3A_156] {strides = array<i32>} : memref<40x128xf32, #tpu.memory_space<vmem>>, vector<1x16xf32>,
        %get3A_158 = vector.shape_cast %get3A_157 : vector<1x16xf32> to vector<16xf32>
        %get3A_159 = arith.index_cast %scan3A_115 : i32 to index
        %get3A_160 = arith.constant 48 : index
        %get3A_161 = tpu.vector_load %arg11[%get3A_159, %get3A_160] {strides = array<i32>} : memref<40x128xf32, #tpu.memory_space<vmem>>, vector<1x16xf32>,
        %get3A_162 = vector.shape_cast %get3A_161 : vector<1x16xf32> to vector<16xf32>
        %sub3A_163 = arith.subf %get3A_158, %get3A_162 : vector<16xf32>
        %mul3A_164 = arith.mulf %sub3A_163, %sub3A_163 : vector<16xf32>
        %add3A_165 = arith.addf %scan3A_119, %mul3A_164 : vector<16xf32>
        %get3A_166 = arith.index_cast %scan3A_115 : i32 to index
        %get3A_167 = arith.constant 64 : index
        %get3A_168 = tpu.vector_load %arg10[%get3A_166, %get3A_167] {strides = array<i32>} : memref<40x128xf32, #tpu.memory_space<vmem>>, vector<1x16xf32>,
        %get3A_169 = vector.shape_cast %get3A_168 : vector<1x16xf32> to vector<16xf32>
        %get3A_170 = arith.index_cast %scan3A_115 : i32 to index
        %get3A_171 = arith.constant 64 : index
        %get3A_172 = tpu.vector_load %arg11[%get3A_170, %get3A_171] {strides = array<i32>} : memref<40x128xf32, #tpu.memory_space<vmem>>, vector<1x16xf32>,
        %get3A_173 = vector.shape_cast %get3A_172 : vector<1x16xf32> to vector<16xf32>
        %sub3A_174 = arith.subf %get3A_169, %get3A_173 : vector<16xf32>
        %mul3A_175 = arith.mulf %sub3A_174, %sub3A_174 : vector<16xf32>
        %add3A_176 = arith.addf %scan3A_120, %mul3A_175 : vector<16xf32>
        %get3A_177 = arith.index_cast %scan3A_115 : i32 to index
        %get3A_178 = arith.constant 80 : index
        %get3A_179 = tpu.vector_load %arg10[%get3A_177, %get3A_178] {strides = array<i32>} : memref<40x128xf32, #tpu.memory_space<vmem>>, vector<1x16xf32>,
        %get3A_180 = vector.shape_cast %get3A_179 : vector<1x16xf32> to vector<16xf32>
        %get3A_181 = arith.index_cast %scan3A_115 : i32 to index
        %get3A_182 = arith.constant 80 : index
        %get3A_183 = tpu.vector_load %arg11[%get3A_181, %get3A_182] {strides = array<i32>} : memref<40x128xf32, #tpu.memory_space<vmem>>, vector<1x16xf32>,
        %get3A_184 = vector.shape_cast %get3A_183 : vector<1x16xf32> to vector<16xf32>
        %sub3A_185 = arith.subf %get3A_180, %get3A_184 : vector<16xf32>
        %mul3A_186 = arith.mulf %sub3A_185, %sub3A_185 : vector<16xf32>
        %add3A_187 = arith.addf %scan3A_121, %mul3A_186 : vector<16xf32>
        %get3A_188 = arith.index_cast %scan3A_115 : i32 to index
        %get3A_189 = arith.constant 96 : index
        %get3A_190 = tpu.vector_load %arg10[%get3A_188, %get3A_189] {strides = array<i32>} : memref<40x128xf32, #tpu.memory_space<vmem>>, vector<1x16xf32>,
        %get3A_191 = vector.shape_cast %get3A_190 : vector<1x16xf32> to vector<16xf32>
        %get3A_192 = arith.index_cast %scan3A_115 : i32 to index
        %get3A_193 = arith.constant 96 : index
        %get3A_194 = tpu.vector_load %arg11[%get3A_192, %get3A_193] {strides = array<i32>} : memref<40x128xf32, #tpu.memory_space<vmem>>, vector<1x16xf32>,
        %get3A_195 = vector.shape_cast %get3A_194 : vector<1x16xf32> to vector<16xf32>
        %sub3A_196 = arith.subf %get3A_191, %get3A_195 : vector<16xf32>
        %mul3A_197 = arith.mulf %sub3A_196, %sub3A_196 : vector<16xf32>
        %add3A_198 = arith.addf %scan3A_122, %mul3A_197 : vector<16xf32>
        %get3A_199 = arith.index_cast %scan3A_115 : i32 to index
        %get3A_200 = arith.constant 112 : index
        %get3A_201 = tpu.vector_load %arg10[%get3A_199, %get3A_200] {strides = array<i32>} : memref<40x128xf32, #tpu.memory_space<vmem>>, vector<1x16xf32>,
        %get3A_202 = vector.shape_cast %get3A_201 : vector<1x16xf32> to vector<16xf32>
        %get3A_203 = arith.index_cast %scan3A_115 : i32 to index
        %get3A_204 = arith.constant 112 : index
        %get3A_205 = tpu.vector_load %arg11[%get3A_203, %get3A_204] {strides = array<i32>} : memref<40x128xf32, #tpu.memory_space<vmem>>, vector<1x16xf32>,
        %get3A_206 = vector.shape_cast %get3A_205 : vector<1x16xf32> to vector<16xf32>
        %sub3A_207 = arith.subf %get3A_202, %get3A_206 : vector<16xf32>
        %mul3A_208 = arith.mulf %sub3A_207, %sub3A_207 : vector<16xf32>
        %add3A_209 = arith.addf %scan3A_123, %mul3A_208 : vector<16xf32>
        scf.yield %add3A_132, %add3A_143, %add3A_154, %add3A_165, %add3A_176, %add3A_187, %add3A_198, %add3A_209 : vector<16xf32>, vector<16xf32>, vector<16xf32>, vector<16xf32>, vector<16xf32>, vector<16xf32>, vector<16xf32>, vector<16xf32>
      }
      %scan3A_87 = arith.constant 40 : i32
      %mul3A_88 = arith.constant 2 : i32
      %mul3A_89 = arith.muli %mul3A_88, %scan3A_46 : i32
      %add3A_90 = arith.constant 2 : i32
      %add3A_91 = arith.addi %mul3A_89, %add3A_90 : i32
      %lt3A_92 = arith.constant 250 : i32
      %lt3A_93 = arith.cmpi slt, %add3A_91, %lt3A_92 : i32
      %convert_element_type3A_94 = arith.extui %lt3A_93 : i1 to i32
      %cond3A_95 = arith.constant 0 : i32
      %cond3A_96 = arith.cmpi ne, %convert_element_type3A_94, %cond3A_95 : i32
      scf.if %cond3A_96 {
        %mul3A_115 = arith.constant 2 : i32
        %mul3A_116 = arith.muli %mul3A_115, %scan3A_46 : i32
        %add3A_117 = arith.constant 2 : i32
        %add3A_118 = arith.addi %mul3A_116, %add3A_117 : i32
        %mul3A_119 = arith.constant 40 : i32
        %mul3A_120 = arith.muli %add3A_118, %mul3A_119 : i32
        %dma_start3A_121 = tpu.memref_slice %arg8[%mul3A_120] : memref<10000xi32, #tpu.memory_space<vmem>> -> memref<40xi32, #tpu.memory_space<vmem>>
        %dma_start3A_122 = arith.constant 0 : i32
        %dma_start3A_123 = arith.constant 0 : i32
        %dma_start3A_124 = tpu.memref_slice %arg7[%dma_start3A_122, %dma_start3A_123] : memref<10000x128xf32, #tpu.memory_space<vmem_shared>> -> memref<10000x128xf32, #tpu.memory_space<vmem_shared>>
        tpu.enqueue_indirect_dma source(%dma_start3A_124 : memref<10000x128xf32, #tpu.memory_space<vmem_shared>>) target(%arg10 : memref<40x128xf32, #tpu.memory_space<vmem>>) offsets(%dma_start3A_121 : memref<40xi32, #tpu.memory_space<vmem>>) semaphore(%arg16 : memref<!tpu.dma_semaphore, #tpu.memory_space<semaphore_mem>>)
        %mul3A_125 = arith.constant 40 : i32
        %mul3A_126 = arith.muli %add3A_118, %mul3A_125 : i32
        %dma_start3A_127 = tpu.memref_slice %arg9[%mul3A_126] : memref<10000xi32, #tpu.memory_space<vmem>> -> memref<40xi32, #tpu.memory_space<vmem>>
        %dma_start3A_128 = arith.constant 0 : i32
        %dma_start3A_129 = arith.constant 0 : i32
        %dma_start3A_130 = tpu.memref_slice %arg7[%dma_start3A_128, %dma_start3A_129] : memref<10000x128xf32, #tpu.memory_space<vmem_shared>> -> memref<10000x128xf32, #tpu.memory_space<vmem_shared>>
        tpu.enqueue_indirect_dma source(%dma_start3A_130 : memref<10000x128xf32, #tpu.memory_space<vmem_shared>>) target(%arg11 : memref<40x128xf32, #tpu.memory_space<vmem>>) offsets(%dma_start3A_127 : memref<40xi32, #tpu.memory_space<vmem>>) semaphore(%arg16 : memref<!tpu.dma_semaphore, #tpu.memory_space<semaphore_mem>>)
      } else {
      }
      %dma_wait3A_97 = arith.constant 0 : i32
      %dma_wait3A_98 = arith.constant 0 : i32
      %dma_wait3A_99 = tpu.memref_slice %arg7[%dma_wait3A_97, %dma_wait3A_98] : memref<10000x128xf32, #tpu.memory_space<vmem_shared>> -> memref<40x128xf32, #tpu.memory_space<vmem_shared>>
      %dma_wait3A_100 = arith.constant 0 : i32
      %dma_wait3A_101 = arith.constant 0 : i32
      %dma_wait3A_102 = tpu.memref_slice %arg7[%dma_wait3A_100, %dma_wait3A_101] : memref<10000x128xf32, #tpu.memory_space<vmem_shared>> -> memref<40x128xf32, #tpu.memory_space<vmem_shared>>
      tpu.wait_dma2 semaphore(%arg17 : memref<!tpu.dma_semaphore, #tpu.memory_space<semaphore_mem>>) src(%dma_wait3A_102 : memref<40x128xf32, #tpu.memory_space<vmem_shared>>) dst(%arg12 : memref<40x128xf32, #tpu.memory_space<vmem>>)
      %dma_wait3A_103 = arith.constant 0 : i32
      %dma_wait3A_104 = arith.constant 0 : i32
      %dma_wait3A_105 = tpu.memref_slice %arg7[%dma_wait3A_103, %dma_wait3A_104] : memref<10000x128xf32, #tpu.memory_space<vmem_shared>> -> memref<40x128xf32, #tpu.memory_space<vmem_shared>>
      %dma_wait3A_106 = arith.constant 0 : i32
      %dma_wait3A_107 = arith.constant 0 : i32
      %dma_wait3A_108 = tpu.memref_slice %arg7[%dma_wait3A_106, %dma_wait3A_107] : memref<10000x128xf32, #tpu.memory_space<vmem_shared>> -> memref<40x128xf32, #tpu.memory_space<vmem_shared>>
      tpu.wait_dma2 semaphore(%arg17 : memref<!tpu.dma_semaphore, #tpu.memory_space<semaphore_mem>>) src(%dma_wait3A_108 : memref<40x128xf32, #tpu.memory_space<vmem_shared>>) dst(%arg13 : memref<40x128xf32, #tpu.memory_space<vmem>>)
      %scan3A_109 = arith.constant 0 : i32
      %scan3A_110 = arith.constant 40 : i32
      %scan3A_111 = arith.addi %scan3A_109, %scan3A_110 : i32
      %scan3A_112 = arith.constant 1 : i32
      %scan3A_113:8 = scf.for %scan3A_115 = %scan3A_109 to %scan3A_111 step %scan3A_112 iter_args(%scan3A_116 = %scan3A_86#0, %scan3A_117 = %scan3A_86#1, %scan3A_118 = %scan3A_86#2, %scan3A_119 = %scan3A_86#3, %scan3A_120 = %scan3A_86#4, %scan3A_121 = %scan3A_86#5, %scan3A_122 = %scan3A_86#6, %scan3A_123 = %scan3A_86#7) -> (vector<16xf32>, vector<16xf32>, vector<16xf32>, vector<16xf32>, vector<16xf32>, vector<16xf32>, vector<16xf32>, vector<16xf32>)  : i32 {
        %get3A = arith.index_cast %scan3A_115 : i32 to index
        %get3A_124 = arith.constant 0 : index
        %get3A_125 = tpu.vector_load %arg12[%get3A, %get3A_124] {strides = array<i32>} : memref<40x128xf32, #tpu.memory_space<vmem>>, vector<1x16xf32>,
        %get3A_126 = vector.shape_cast %get3A_125 : vector<1x16xf32> to vector<16xf32>
        %get3A_127 = arith.index_cast %scan3A_115 : i32 to index
        %get3A_128 = arith.constant 0 : index
        %get3A_129 = tpu.vector_load %arg13[%get3A_127, %get3A_128] {strides = array<i32>} : memref<40x128xf32, #tpu.memory_space<vmem>>, vector<1x16xf32>,
        %get3A_130 = vector.shape_cast %get3A_129 : vector<1x16xf32> to vector<16xf32>
        %sub3A = arith.subf %get3A_126, %get3A_130 : vector<16xf32>
        %mul3A_131 = arith.mulf %sub3A, %sub3A : vector<16xf32>
        %add3A_132 = arith.addf %scan3A_116, %mul3A_131 : vector<16xf32>
        %get3A_133 = arith.index_cast %scan3A_115 : i32 to index
        %get3A_134 = arith.constant 16 : index
        %get3A_135 = tpu.vector_load %arg12[%get3A_133, %get3A_134] {strides = array<i32>} : memref<40x128xf32, #tpu.memory_space<vmem>>, vector<1x16xf32>,
        %get3A_136 = vector.shape_cast %get3A_135 : vector<1x16xf32> to vector<16xf32>
        %get3A_137 = arith.index_cast %scan3A_115 : i32 to index
        %get3A_138 = arith.constant 16 : index
        %get3A_139 = tpu.vector_load %arg13[%get3A_137, %get3A_138] {strides = array<i32>} : memref<40x128xf32, #tpu.memory_space<vmem>>, vector<1x16xf32>,
        %get3A_140 = vector.shape_cast %get3A_139 : vector<1x16xf32> to vector<16xf32>
        %sub3A_141 = arith.subf %get3A_136, %get3A_140 : vector<16xf32>
        %mul3A_142 = arith.mulf %sub3A_141, %sub3A_141 : vector<16xf32>
        %add3A_143 = arith.addf %scan3A_117, %mul3A_142 : vector<16xf32>
        %get3A_144 = arith.index_cast %scan3A_115 : i32 to index
        %get3A_145 = arith.constant 32 : index
        %get3A_146 = tpu.vector_load %arg12[%get3A_144, %get3A_145] {strides = array<i32>} : memref<40x128xf32, #tpu.memory_space<vmem>>, vector<1x16xf32>,
        %get3A_147 = vector.shape_cast %get3A_146 : vector<1x16xf32> to vector<16xf32>
        %get3A_148 = arith.index_cast %scan3A_115 : i32 to index
        %get3A_149 = arith.constant 32 : index
        %get3A_150 = tpu.vector_load %arg13[%get3A_148, %get3A_149] {strides = array<i32>} : memref<40x128xf32, #tpu.memory_space<vmem>>, vector<1x16xf32>,
        %get3A_151 = vector.shape_cast %get3A_150 : vector<1x16xf32> to vector<16xf32>
        %sub3A_152 = arith.subf %get3A_147, %get3A_151 : vector<16xf32>
        %mul3A_153 = arith.mulf %sub3A_152, %sub3A_152 : vector<16xf32>
        %add3A_154 = arith.addf %scan3A_118, %mul3A_153 : vector<16xf32>
        %get3A_155 = arith.index_cast %scan3A_115 : i32 to index
        %get3A_156 = arith.constant 48 : index
        %get3A_157 = tpu.vector_load %arg12[%get3A_155, %get3A_156] {strides = array<i32>} : memref<40x128xf32, #tpu.memory_space<vmem>>, vector<1x16xf32>,
        %get3A_158 = vector.shape_cast %get3A_157 : vector<1x16xf32> to vector<16xf32>
        %get3A_159 = arith.index_cast %scan3A_115 : i32 to index
        %get3A_160 = arith.constant 48 : index
        %get3A_161 = tpu.vector_load %arg13[%get3A_159, %get3A_160] {strides = array<i32>} : memref<40x128xf32, #tpu.memory_space<vmem>>, vector<1x16xf32>,
        %get3A_162 = vector.shape_cast %get3A_161 : vector<1x16xf32> to vector<16xf32>
        %sub3A_163 = arith.subf %get3A_158, %get3A_162 : vector<16xf32>
        %mul3A_164 = arith.mulf %sub3A_163, %sub3A_163 : vector<16xf32>
        %add3A_165 = arith.addf %scan3A_119, %mul3A_164 : vector<16xf32>
        %get3A_166 = arith.index_cast %scan3A_115 : i32 to index
        %get3A_167 = arith.constant 64 : index
        %get3A_168 = tpu.vector_load %arg12[%get3A_166, %get3A_167] {strides = array<i32>} : memref<40x128xf32, #tpu.memory_space<vmem>>, vector<1x16xf32>,
        %get3A_169 = vector.shape_cast %get3A_168 : vector<1x16xf32> to vector<16xf32>
        %get3A_170 = arith.index_cast %scan3A_115 : i32 to index
        %get3A_171 = arith.constant 64 : index
        %get3A_172 = tpu.vector_load %arg13[%get3A_170, %get3A_171] {strides = array<i32>} : memref<40x128xf32, #tpu.memory_space<vmem>>, vector<1x16xf32>,
        %get3A_173 = vector.shape_cast %get3A_172 : vector<1x16xf32> to vector<16xf32>
        %sub3A_174 = arith.subf %get3A_169, %get3A_173 : vector<16xf32>
        %mul3A_175 = arith.mulf %sub3A_174, %sub3A_174 : vector<16xf32>
        %add3A_176 = arith.addf %scan3A_120, %mul3A_175 : vector<16xf32>
        %get3A_177 = arith.index_cast %scan3A_115 : i32 to index
        %get3A_178 = arith.constant 80 : index
        %get3A_179 = tpu.vector_load %arg12[%get3A_177, %get3A_178] {strides = array<i32>} : memref<40x128xf32, #tpu.memory_space<vmem>>, vector<1x16xf32>,
        %get3A_180 = vector.shape_cast %get3A_179 : vector<1x16xf32> to vector<16xf32>
        %get3A_181 = arith.index_cast %scan3A_115 : i32 to index
        %get3A_182 = arith.constant 80 : index
        %get3A_183 = tpu.vector_load %arg13[%get3A_181, %get3A_182] {strides = array<i32>} : memref<40x128xf32, #tpu.memory_space<vmem>>, vector<1x16xf32>,
        %get3A_184 = vector.shape_cast %get3A_183 : vector<1x16xf32> to vector<16xf32>
        %sub3A_185 = arith.subf %get3A_180, %get3A_184 : vector<16xf32>
        %mul3A_186 = arith.mulf %sub3A_185, %sub3A_185 : vector<16xf32>
        %add3A_187 = arith.addf %scan3A_121, %mul3A_186 : vector<16xf32>
        %get3A_188 = arith.index_cast %scan3A_115 : i32 to index
        %get3A_189 = arith.constant 96 : index
        %get3A_190 = tpu.vector_load %arg12[%get3A_188, %get3A_189] {strides = array<i32>} : memref<40x128xf32, #tpu.memory_space<vmem>>, vector<1x16xf32>,
        %get3A_191 = vector.shape_cast %get3A_190 : vector<1x16xf32> to vector<16xf32>
        %get3A_192 = arith.index_cast %scan3A_115 : i32 to index
        %get3A_193 = arith.constant 96 : index
        %get3A_194 = tpu.vector_load %arg13[%get3A_192, %get3A_193] {strides = array<i32>} : memref<40x128xf32, #tpu.memory_space<vmem>>, vector<1x16xf32>,
        %get3A_195 = vector.shape_cast %get3A_194 : vector<1x16xf32> to vector<16xf32>
        %sub3A_196 = arith.subf %get3A_191, %get3A_195 : vector<16xf32>
        %mul3A_197 = arith.mulf %sub3A_196, %sub3A_196 : vector<16xf32>
        %add3A_198 = arith.addf %scan3A_122, %mul3A_197 : vector<16xf32>
        %get3A_199 = arith.index_cast %scan3A_115 : i32 to index
        %get3A_200 = arith.constant 112 : index
        %get3A_201 = tpu.vector_load %arg12[%get3A_199, %get3A_200] {strides = array<i32>} : memref<40x128xf32, #tpu.memory_space<vmem>>, vector<1x16xf32>,
        %get3A_202 = vector.shape_cast %get3A_201 : vector<1x16xf32> to vector<16xf32>
        %get3A_203 = arith.index_cast %scan3A_115 : i32 to index
        %get3A_204 = arith.constant 112 : index
        %get3A_205 = tpu.vector_load %arg13[%get3A_203, %get3A_204] {strides = array<i32>} : memref<40x128xf32, #tpu.memory_space<vmem>>, vector<1x16xf32>,
        %get3A_206 = vector.shape_cast %get3A_205 : vector<1x16xf32> to vector<16xf32>
        %sub3A_207 = arith.subf %get3A_202, %get3A_206 : vector<16xf32>
        %mul3A_208 = arith.mulf %sub3A_207, %sub3A_207 : vector<16xf32>
        %add3A_209 = arith.addf %scan3A_123, %mul3A_208 : vector<16xf32>
        scf.yield %add3A_132, %add3A_143, %add3A_154, %add3A_165, %add3A_176, %add3A_187, %add3A_198, %add3A_209 : vector<16xf32>, vector<16xf32>, vector<16xf32>, vector<16xf32>, vector<16xf32>, vector<16xf32>, vector<16xf32>, vector<16xf32>
      }
      %scan3A_114 = arith.constant 40 : i32
      scf.yield %scan3A_113#0, %scan3A_113#1, %scan3A_113#2, %scan3A_113#3, %scan3A_113#4, %scan3A_113#5, %scan3A_113#6, %scan3A_113#7 : vector<16xf32>, vector<16xf32>, vector<16xf32>, vector<16xf32>, vector<16xf32>, vector<16xf32>, vector<16xf32>, vector<16xf32>
    }
    %scan3A_31 = arith.constant 125 : i32
    %add3A_32 = arith.addf %scan3A_30#0, %scan3A_30#1 : vector<16xf32>
    %add3A_33 = arith.addf %add3A_32, %scan3A_30#2 : vector<16xf32>
    %add3A_34 = arith.addf %add3A_33, %scan3A_30#3 : vector<16xf32>
    %add3A_35 = arith.addf %add3A_34, %scan3A_30#4 : vector<16xf32>
    %add3A_36 = arith.addf %add3A_35, %scan3A_30#5 : vector<16xf32>
    %add3A_37 = arith.addf %add3A_36, %scan3A_30#6 : vector<16xf32>
    %add3A_38 = arith.addf %add3A_37, %scan3A_30#7 : vector<16xf32>
    %swap3A = arith.constant 0 : index
    %swap3A_39 = tpu.vector_load %arg14[%swap3A] {strides = array<i32>} : memref<16xf32, #tpu.memory_space<vmem>>, vector<16xf32>,
    %swap3A_40 = vector.shape_cast %swap3A_39 : vector<16xf32> to vector<16xf32>
    %swap3A_41 = vector.shape_cast %add3A_38 : vector<16xf32> to vector<16xf32>
    tpu.vector_store %arg14[%swap3A], %swap3A_41 {strides = array<i32>} : memref<16xf32, #tpu.memory_space<vmem>>, vector<16xf32>,
    %swap3A_42 = arith.constant 0 : index
    %swap3A_43 = tpu.vector_load %arg15[%swap3A_42] {strides = array<i32>} : memref<16xf32, #tpu.memory_space<vmem>>, vector<16xf32>,
    %swap3A_44 = vector.shape_cast %swap3A_43 : vector<16xf32> to vector<16xf32>
    %swap3A_45 = vector.shape_cast %scan3A_24 : vector<16xf32> to vector<16xf32>
    tpu.vector_store %arg15[%swap3A_42], %swap3A_45 {strides = array<i32>} : memref<16xf32, #tpu.memory_space<vmem>>, vector<16xf32>,
    "tpu.region"() ({
      %run_scoped3A = tpu.sem_alloc : memref<!tpu.dma_semaphore, #tpu.memory_space<semaphore_mem>>
      %dma_start3A_46 = arith.constant 0 : i32
      %dma_start3A_47 = tpu.memref_slice %arg5[%add3A, %dma_start3A_46] : memref<32x16xf32, #tpu.memory_space<hbm>> -> memref<1x16xf32, #tpu.memory_space<hbm>>
      %dma_start3A_48 = tpu.memref_squeeze %dma_start3A_47 : memref<1x16xf32, #tpu.memory_space<hbm>> -> memref<16xf32, #tpu.memory_space<hbm>>
      %dma_start3A_49 = arith.constant 0 : i32
      %dma_start3A_50 = tpu.memref_slice %arg5[%add3A, %dma_start3A_49] : memref<32x16xf32, #tpu.memory_space<hbm>> -> memref<1x16xf32, #tpu.memory_space<hbm>>
      %dma_start3A_51 = tpu.memref_squeeze %dma_start3A_50 : memref<1x16xf32, #tpu.memory_space<hbm>> -> memref<16xf32, #tpu.memory_space<hbm>>
      tpu.enqueue_dma source(%arg14 : memref<16xf32, #tpu.memory_space<vmem>>) target(%dma_start3A_51 : memref<16xf32, #tpu.memory_space<hbm>>) target_semaphore(%run_scoped3A : memref<!tpu.dma_semaphore, #tpu.memory_space<semaphore_mem>>)
      %dma_wait3A = arith.constant 0 : i32
      %dma_wait3A_52 = tpu.memref_slice %arg5[%add3A, %dma_wait3A] : memref<32x16xf32, #tpu.memory_space<hbm>> -> memref<1x16xf32, #tpu.memory_space<hbm>>
      %dma_wait3A_53 = tpu.memref_squeeze %dma_wait3A_52 : memref<1x16xf32, #tpu.memory_space<hbm>> -> memref<16xf32, #tpu.memory_space<hbm>>
      %dma_wait3A_54 = arith.constant 0 : i32
      %dma_wait3A_55 = tpu.memref_slice %arg5[%add3A, %dma_wait3A_54] : memref<32x16xf32, #tpu.memory_space<hbm>> -> memref<1x16xf32, #tpu.memory_space<hbm>>
      %dma_wait3A_56 = tpu.memref_squeeze %dma_wait3A_55 : memref<1x16xf32, #tpu.memory_space<hbm>> -> memref<16xf32, #tpu.memory_space<hbm>>
      tpu.wait_dma2 semaphore(%run_scoped3A : memref<!tpu.dma_semaphore, #tpu.memory_space<semaphore_mem>>) src(%arg14 : memref<16xf32, #tpu.memory_space<vmem>>) dst(%dma_wait3A_56 : memref<16xf32, #tpu.memory_space<hbm>>)
      tpu.yield
    }) : () -> ()
    "tpu.region"() ({
      %run_scoped3A = tpu.sem_alloc : memref<!tpu.dma_semaphore, #tpu.memory_space<semaphore_mem>>
      %dma_start3A_46 = arith.constant 0 : i32
      %dma_start3A_47 = tpu.memref_slice %arg6[%add3A, %dma_start3A_46] : memref<32x16xf32, #tpu.memory_space<hbm>> -> memref<1x16xf32, #tpu.memory_space<hbm>>
      %dma_start3A_48 = tpu.memref_squeeze %dma_start3A_47 : memref<1x16xf32, #tpu.memory_space<hbm>> -> memref<16xf32, #tpu.memory_space<hbm>>
      %dma_start3A_49 = arith.constant 0 : i32
      %dma_start3A_50 = tpu.memref_slice %arg6[%add3A, %dma_start3A_49] : memref<32x16xf32, #tpu.memory_space<hbm>> -> memref<1x16xf32, #tpu.memory_space<hbm>>
      %dma_start3A_51 = tpu.memref_squeeze %dma_start3A_50 : memref<1x16xf32, #tpu.memory_space<hbm>> -> memref<16xf32, #tpu.memory_space<hbm>>
      tpu.enqueue_dma source(%arg15 : memref<16xf32, #tpu.memory_space<vmem>>) target(%dma_start3A_51 : memref<16xf32, #tpu.memory_space<hbm>>) target_semaphore(%run_scoped3A : memref<!tpu.dma_semaphore, #tpu.memory_space<semaphore_mem>>)
      %dma_wait3A = arith.constant 0 : i32
      %dma_wait3A_52 = tpu.memref_slice %arg6[%add3A, %dma_wait3A] : memref<32x16xf32, #tpu.memory_space<hbm>> -> memref<1x16xf32, #tpu.memory_space<hbm>>
      %dma_wait3A_53 = tpu.memref_squeeze %dma_wait3A_52 : memref<1x16xf32, #tpu.memory_space<hbm>> -> memref<16xf32, #tpu.memory_space<hbm>>
      %dma_wait3A_54 = arith.constant 0 : i32
      %dma_wait3A_55 = tpu.memref_slice %arg6[%add3A, %dma_wait3A_54] : memref<32x16xf32, #tpu.memory_space<hbm>> -> memref<1x16xf32, #tpu.memory_space<hbm>>
      %dma_wait3A_56 = tpu.memref_squeeze %dma_wait3A_55 : memref<1x16xf32, #tpu.memory_space<hbm>> -> memref<16xf32, #tpu.memory_space<hbm>>
      tpu.wait_dma2 semaphore(%run_scoped3A : memref<!tpu.dma_semaphore, #tpu.memory_space<semaphore_mem>>) src(%arg15 : memref<16xf32, #tpu.memory_space<vmem>>) dst(%dma_wait3A_56 : memref<16xf32, #tpu.memory_space<hbm>>)
      tpu.yield
    }) : () -> ()
    return
  }
}

module attributes {stable_mosaic.version = 14 : i64} {
  func.func @_finalize_body(%arg0: memref<32x16xf32, #tpu.memory_space<vmem>>, %arg1: memref<32x16xf32, #tpu.memory_space<vmem>>, %arg2: memref<1x1xf32, #tpu.memory_space<smem>>) attributes {dimension_semantics = [], scalar_prefetch = 0 : i64, scratch_operands = 0 : i64, tpu.core_type = #tpu.core_type<tc>} {
    %get3A = arith.constant 0 : index
    %get3A_0 = arith.constant 0 : index
    %get3A_1 = vector.load %arg0[%get3A, %get3A_0] : memref<32x16xf32, #tpu.memory_space<vmem>>, vector<32x16xf32>
    %reduce_sum3A = vector.shape_cast %get3A_1 : vector<32x16xf32> to vector<1x32x16xf32>
    %reduce_sum3A_2 = arith.constant dense<0.000000e+00> : vector<1xf32>
    %reduce_sum3A_3 = vector.multi_reduction <add>, %reduce_sum3A, %reduce_sum3A_2 [1, 2] : vector<1x32x16xf32> to vector<1xf32>
    %reduce_sum3A_4 = vector.shape_cast %reduce_sum3A_3 : vector<1xf32> to vector<1x1x1xf32>
    %reduce_sum3A_5 = vector.extract %reduce_sum3A_4[0, 0, 0] : f32 from vector<1x1x1xf32>
    %get3A_6 = arith.constant 0 : index
    %get3A_7 = arith.constant 0 : index
    %get3A_8 = vector.load %arg1[%get3A_6, %get3A_7] : memref<32x16xf32, #tpu.memory_space<vmem>>, vector<32x16xf32>
    %reduce_sum3A_9 = vector.shape_cast %get3A_8 : vector<32x16xf32> to vector<1x32x16xf32>
    %reduce_sum3A_10 = arith.constant dense<0.000000e+00> : vector<1xf32>
    %reduce_sum3A_11 = vector.multi_reduction <add>, %reduce_sum3A_9, %reduce_sum3A_10 [1, 2] : vector<1x32x16xf32> to vector<1xf32>
    %reduce_sum3A_12 = vector.shape_cast %reduce_sum3A_11 : vector<1xf32> to vector<1x1x1xf32>
    %reduce_sum3A_13 = vector.extract %reduce_sum3A_12[0, 0, 0] : f32 from vector<1x1x1xf32>
    %div3A = arith.divf %reduce_sum3A_5, %reduce_sum3A_13 : f32
    %swap3A = arith.constant 0 : index
    %swap3A_14 = arith.constant 0 : index
    %swap3A_15 = memref.load %arg2[%swap3A, %swap3A_14] : memref<1x1xf32, #tpu.memory_space<smem>>
    memref.store %div3A, %arg2[%swap3A, %swap3A_14] : memref<1x1xf32, #tpu.memory_space<smem>>
    return
  }
}

</mosaic_0001>

<sc_bundles>
// kernel: kernel.4.cloned.1.call-start
scs
__scs_entry_jumppad:
0x0: {  	(pc) =	sbr.rel $0x88, $3  }
0x1: {  	(tag) =	ssettag $0x0;
	lr =	simm.s32 $0x1  }
0x2: {  	[smem:$0x3F9F] =	sst lr;
	_ =	strace $0xD0000000  }
0x3: {  	_ = 	snop  }
0x4: {  	_ = 	snop  }
0x5: {  	_ = 	snop  }
0x6: {  	_ = 	snop  }
0x7: {  	_ = 	snop  }
__scs_overlays_trampoline_lowered:
0x8: {  	[smem:$0x3FAE] =	sst s0  }
0x9: {  	[smem:$0x3FAF] =	sst s1  }
0xa: {  	[smem:$0x3FB0] =	sst s2  }
0xb: {  	[smem:$0x3FB1] =	sst s3  }
0xc: {  	[smem:$0x3FB2] =	sst s4  }
0xd: {  	[smem:$0x3FB3] =	sst s5  }
0xe: {  	[smem:$0x3FB4] =	sst s6  }
0xf: {  	[smem:$0x3FB5] =	sst s7  }
0x10: {  	[smem:$0x3FB6] =	sst s8  }
0x11: {  	[smem:$0x3FB7] =	sst s9;
	s0 =	simm.s32 @!p0 $0x0  }
0x12: {  	s1 =	sld [smem:$0x3F9D];
	s0 =	simm.s32 @p0 $0x1  }
0x13: {  	[smem:$0x3FB8] =	sst s0;
	s0 =	simm.s32 @!p1 $0x0  }
0x14: {  	s2 =	sld [smem:$0x3F9C];
	s0 =	simm.s32 @p1 $0x1  }
0x15: {  	[smem:$0x3FB9] =	sst s0;
	s0 =	simm.s32 @!p2 $0x0  }
0x16: {  	s3 =	sld [smem:$0x3FDB];
	s0 =	simm.s32 @p2 $0x1  }
0x17: {  	s4 =	simm.s32 $0x1BF5;
	[smem:$0x3FBB] =	sst s0  }
0x18: {  	s0 =	sld [smem:$0x3F9E];
	_ =	swait.ge [sflag:s4], $0x0  }
0x19: {  	s7 =	sld [smem:$0x3F9F]  }
0x1a: {  	s8 =	sadd.s32 $0xFFFFE003, lr  }
0x1b: {  	s9 =	sadd.s32 $0xFFFFFEF7, lr;
	s5 =	simm.s32 $0xFFFFFFFF;
	p2 =	slt.u32 s8, $0xFFFFF086  }
0x1c: {  	p1 =	slt.u32 s9, $0xF7A;
	s5 =	simm.s32 @!p2 $0x0  }
0x1d: {  	s5 =	simm.s32 @p1 $0x1;
	p0 =	seq.s32 s7, s2  }
0x1e: {  	s7 =	smul.u32 @!p0 $0xF7A, s2;
	p2 =	seq.s32 @!p0 s5, $0x0  }
0x1f: {  	s9 =	smul.u32 $0xF7A, s1;
	s8 =	simm.s32 @!p0 $0x1BF5;
	p2 =	por !p2, p0  }
0x20: {  	[sflag:s8] =	ssyncset.s32 @!p0 $0xFFFFF086;
	s6 =	sadd.s32 @!p0 s3, s7;
	s7 =	simm.s32 @!p0 $0x108  }
0x21: {  	s3 =	sadd.s32 s3, s9;
	s6 =	sadd.s32 @!p0 $0x88, s6;
	s7 =	simm.s32 @p2 $0x1082  }
0x22: {  	[simem:s7], [sflag:s8] =	dma.local @!p0 [hbm:s6], $0xF7A  }
0x23: {  	s9 =	sor.u32 $0xD0000000, s2;
	s6 =	simm.s32 $0x108;
	_ =	swait.ge @!p0 [sflag:s8], $0x0  }
0x24: {  	s3 =	sadd.s32 $0x88, s3;
	s6 =	simm.s32 @!p1 $0x1082;
	[sflag:s4] =	ssyncset.s32 $0xFFFFF086  }
0x25: {  	[simem:s6], [sflag:s4] =	dma.local [hbm:s3], $0xF7A  }
0x26: {  	[smem:$0x3F9F] =	sst s1;
	(tag) =	ssettag s2;
	_ =	strace s9  }
0x27: {  	s1 =	sld [smem:$0x3FAF]  }
0x28: {  	s2 =	sld [smem:$0x3FB0]  }
0x29: {  	s4 =	sld [smem:$0x3FB2]  }
0x2a: {  	p0 =	seq.s32 s5, $0x0;
	s5 =	sld [smem:$0x3FB3]  }
0x2b: {  	s6 =	sld [smem:$0x3FB4]  }
0x2c: {  	s7 =	sld [smem:$0x3FB5]  }
0x2d: {  	s3 =	simm.s32 $0x108;
	s8 =	sld [smem:$0x3FB6]  }
0x2e: {  	s3 =	simm.s32 @!p0 $0x1082;
	s9 =	sld [smem:$0x3FB7]  }
0x2f: {  	lr =	sadd.s32 s0, s3;
	s0 =	sld [smem:$0x3FAE]  }
0x30: {  	s3 =	sld [smem:$0x3FB1]  }
0x31: {  	[smem:$0x3FBA] =	sst s10  }
0x32: {  	s10 =	sld [smem:$0x3FB8];
	_ =	sdelay $0x3  }
0x33: {  	p0 =	seq.s32 s10, $0x1;
	s10 =	sld [smem:$0x3FBA];
	_ =	sdelay $0x3  }
0x34: {  	[smem:$0x3FBA] =	sst s10  }
0x35: {  	s10 =	sld [smem:$0x3FB9];
	_ =	sdelay $0x3  }
0x36: {  	p1 =	seq.s32 s10, $0x1;
	s10 =	sld [smem:$0x3FBA];
	_ =	sdelay $0x3  }
0x37: {  	[smem:$0x3FBA] =	sst s10  }
0x38: {  	s10 =	sld [smem:$0x3FBB]  }
0x39: {  	_ = 	snop;
	(pc) =	sbr.ind lr, $3  }
0x3a: {  	_ = 	snop  }
0x3b: {  	_ = 	snop  }
0x3c: {  	p2 =	seq.s32 s10, $0x1;
	s10 =	sld [smem:$0x3FBA]  }
0x3d: {  	_ =	shalt  }
0x3e: {  	_ =	shalt  }
0x3f: {  	_ =	shalt  }
0x40: {  	_ =	shalt  }
0x41: {  	_ =	shalt  }
0x42: {  	_ =	shalt  }
0x43: {  	_ =	shalt  }
0x44: {  	_ =	shalt  }
0x45: {  	_ =	shalt  }
0x46: {  	_ =	shalt  }
0x47: {  	_ =	shalt  }
0x48: {  	_ =	shalt  }
0x49: {  	_ =	shalt  }
0x4a: {  	_ =	shalt  }
0x4b: {  	_ =	shalt  }
0x4c: {  	_ =	shalt  }
0x4d: {  	_ =	shalt  }
0x4e: {  	_ =	shalt  }
0x4f: {  	_ =	shalt  }
0x50: {  	_ =	shalt  }
0x51: {  	_ =	shalt  }
0x52: {  	_ =	shalt  }
0x53: {  	_ =	shalt  }
0x54: {  	_ =	shalt  }
0x55: {  	_ =	shalt  }
0x56: {  	_ =	shalt  }
0x57: {  	_ =	shalt  }
0x58: {  	_ =	shalt  }
0x59: {  	_ =	shalt  }
0x5a: {  	_ =	shalt  }
0x5b: {  	_ =	shalt  }
0x5c: {  	_ =	shalt  }
0x5d: {  	_ =	shalt  }
0x5e: {  	_ =	shalt  }
0x5f: {  	_ =	shalt  }
0x60: {  	_ =	shalt  }
0x61: {  	_ =	shalt  }
0x62: {  	_ =	shalt  }
0x63: {  	_ =	shalt  }
0x64: {  	_ =	shalt  }
0x65: {  	_ =	shalt  }
0x66: {  	_ =	shalt  }
0x67: {  	_ =	shalt  }
0x68: {  	_ =	shalt  }
0x69: {  	_ =	shalt  }
0x6a: {  	_ =	shalt  }
0x6b: {  	_ =	shalt  }
0x6c: {  	_ =	shalt  }
0x6d: {  	_ =	shalt  }
0x6e: {  	_ =	shalt  }
0x6f: {  	_ =	shalt  }
0x70: {  	_ =	shalt  }
0x71: {  	_ =	shalt  }
0x72: {  	_ =	shalt  }
0x73: {  	_ =	shalt  }
0x74: {  	_ =	shalt  }
0x75: {  	_ =	shalt  }
0x76: {  	_ =	shalt  }
0x77: {  	_ =	shalt  }
0x78: {  	_ =	shalt  }
0x79: {  	_ =	shalt  }
0x7a: {  	_ =	shalt  }
0x7b: {  	_ =	shalt  }
0x7c: {  	_ =	shalt  }
0x7d: {  	_ =	shalt  }
0x7e: {  	_ =	shalt  }
0x7f: {  	_ =	shalt  }
0x80: {  	_ =	shalt  }
0x81: {  	_ =	shalt  }
0x82: {  	_ =	shalt  }
0x83: {  	_ =	shalt  }
0x84: {  	_ =	shalt  }
0x85: {  	_ =	shalt  }
0x86: {  	_ =	shalt  }
0x87: {  	_ =	shalt  }
.Lfunc_end0:
.L_simem_size_0:
called_computation_lowered:
.L_overlay_start_0:
0x88: {  	s2 =	sld [smem:$0x3FD9]  }
0x89: {  	s3 =	sld [smem:$0x3FFE];
	_ =	sdelay $0x1  }
0x8a: {  	s1 =	srdreg.scid  }
0x8b: {  	s0 =	sand.u32 $0x1, s1  }
0x8c: {  	s17 =	sshll.u32 s0, $0xA;
	s2 =	sadd.s32 s3, s2  }
0x8d: {  	s2 =	sadd.s32 s2, s17  }
0x8e: {  	[smem:$0x3FC6] =	sst s2  }
0x8f: {  	_ = 	snop  }
0x90: {  	s2 =	sld [smem:$0x3FC9];
	(tm) =	ssettm $0x1  }
0x91: {  	s18 =	sld [smem:$0x3FFB];
	_ =	sdelay $0x3  }
0x92: {  	_ =	strace s18  }
0x93: {  	s3 =	sld [smem:$0x3FFC];
	_ =	sdelay $0x3  }
0x94: {  	_ =	strace s3  }
0x95: {  	s3 =	sld [smem:$0x3FFD];
	_ =	sdelay $0x3  }
0x96: {  	_ =	strace s3  }
0x97: {  	_ =	strace $0x8FFFFFFF  }
0x98: {  	s19 =	sld [smem:$0x3FDB];
	_ =	sdelay $0x1  }
0x99: {  	s4 =	simm.s32 $_scs_section_size  }
0x9a: {  	s5 =	simm.s32 $_size__tile_overlayer_lowered;
	s6 =	simm.s32 $_tile_overlayer_lowered  }
0x9b: {  	s22 =	simm.s32 $0x1BFF;
	s21 =	sshll.u32 s6, $0x1;
	s3 =	sadd.s32 s4, s19  }
0x9c: {  	s7 =	simm.s32 $0x0;
	s20 =	sshll.u32 s5, $0x1;
	s5 =	sadd.s32 s21, s3  }
0x9d: {  	[timem:s7], [sflag:s22] =	dma.local [hbm:s5], s20  }
0x9e: {  	_ =	swait.ge [sflag:s22], s20  }
0x9f: {  	s4 =	ssub.s32 $0x0, s20;
	[sflag:s22] =	ssyncset.done $0x0  }
0xa0: {  	[sflag:s22] =	ssyncadd.s32 s4;
	_ =	sdelay $0x1  }
0xa1: {  	s23 =	simm.s32 $0x1B8B  }
0xa2: {  	_ =	swait.ge [sflag:s23], $0x1  }
0xa3: {  	[sflag:s23] =	ssyncset.done $0x0  }
0xa4: {  	s25 =	simm.s32 $0x1B8E;
	s24 =	sld [smem:$0x3FFE];
	[sflag:s23] =	ssyncadd.s32 $0xFFFFFFFF  }
0xa5: {  	s26 =	simm.s32 $execute0_lowered;
	[smem:$0x3FD2] =	sst s25  }
0xa6: {  	s5 =	sshll.u32 s26, $0x1;
	_ =	strace $0x80000046;
	[dreg:$0x1] =	wrdreg $0xFFFFFFFF  }
0xa7: {  	s28 =	simm.s32 $_size_execute0_lowered;
	s3 =	sadd.s32 s3, s5;
	[dreg:$0x0] =	wrdreg $0x0  }
0xa8: {  	s5 =	sshll.u32 s28, $0x1;
	[dreg:$0x2] =	wrdreg s3  }
0xa9: {  	[dreg:$0x3] =	wrdreg s5  }
0xaa: {  	[dreg:$0x4] =	wrdreg $0xC0  }
0xab: {  	_ =	task [dreg:s7], $0x5FFFF  }
0xac: {  	[dreg:$0x1] =	wrdreg $0xFFFFFFFF  }
0xad: {  	[dreg:$0x0] =	wrdreg $0x60  }
0xae: {  	[dreg:$0x2] =	wrdreg s2  }
0xaf: {  	[dreg:$0x3] =	wrdreg s24  }
0xb0: {  	[dreg:$0x4] =	wrdreg $0x0  }
0xb1: {  	[dreg:$0x5] =	wrdreg $0x9  }
0xb2: {  	_ =	task.clear_ibuf [dreg:s7], $0x6FFFF;
	_ =	strace $0x90000046  }
0xb3: {  	s29 =	simm.s32 $0x9;
	_ =	strace $0x80000048  }
0xb4: {  	_ =	swait.ge [sflag:s29], $0x1  }
0xb5: {  	[sflag:s29] =	ssyncadd.s32 $0xFFFFFFFF  }
0xb6: {  	_ =	strace $0x90000048  }
0xb7: {  	_ =	sfence  }
0xb8: {  	s30 =	sld [smem:$0x0];
	_ =	sdelay $0x2  }
0xb9: {  	s31 =	sshll.u32 s1, $0xD;
	s1 =	sshrl.u32 s1, $0x2  }
0xba: {  	s3 =	sand.u32 $0x4000, s31;
	s1 =	sadd.s32 s1, s30  }
0xbb: {  	s0 =	sor.u32 s3, s0;
	s1 =	sshll.u32 s1, $0x11  }
0xbc: {  	s0 =	sor.u32 s1, s0  }
0xbd: {  	s0 =	sadd.s32 $0x8F2B, s0  }
0xbe: {  	[sflag:s0] =	ssyncadd.remote.s32 $0x1  }
0xbf: {  	_ =	sfence.sel $0xFFFF  }
0xc0: {  	[dreg:$0x0] =	wrdreg $0xFFFFFFFF;
	(pc) =	sbr.abs _section_cstart, $3  }
0xc1: {  	[dreg:$0x1] =	wrdreg $0xFFFFFFFF  }
0xc2: {  	_ =	task.clear_ibuf [dreg:s7], $0x2FFFF;
	_ =	strace $0x9FFFFFFF  }
0xc3: {  	(tm) =	ssettm $0x7FFFFFFF  }
tec
execute0_lowered:
.L_overlay_start_1:
0x0: {  	(tag) =	ssettag $0x1  }
0x1: {  	s5 =	rddreg [dreg:$0x0]  }
0x2: {  	s4 =	rddreg [dreg:$0x1];
	s1 =	srdreg.scid  }
0x3: {  	s0 =	stileid.u32;
	s2 =	rddreg [dreg:$0x2];
	s3 =	simm.s32 $0x0  }
0x4: {  	s14 =	simm.s32 $0x13880;
	s15 =	simm.s32 $0x3;
	s16 =	simm.s32 $0x16000  }
0x5: {  	s17 =	simm.s32 $0x28;
	s18 =	simm.s32 $0x18780;
	s19 =	simm.s32 $0x19B80  }
0x6: {  	s20 =	simm.s32 $0x1AF80;
	s21 =	simm.s32 $0x1C380;
	s22 =	simm.s32 $0x1  }
0x7: {  	s23 =	simm.s32 $0x2;
	s24 =	simm.s32 $0x1D780;
	s25 =	simm.s32 $0x1D800  }
0x8: {  	s26 =	simm.s32 $0x0;
	s6 =	sand.u32 $0x1, s1;
	s9 =	smul.u32 $0x4F000, s0  }
0x9: {  	s7 =	sshll.u32 s0, $0x1;
	[smem:$0x7FF] =	sst s3;
	s11 =	smul.u32 $0x2780, s0  }
0xa: {  	p0 =	seq.s32 s0, $0xF;
	s7 =	sor.u32 s6, s7;
	_ =	strace $0x80000047  }
0xb: {  	s6 =	ssub.s32 $0x2, s6;
	s8 =	smul.u32 $0x4E2, s7;
	s7 =	sshll.u32 s7, $0x4  }
0xc: {  	s10 =	sshrl.u32 s6, $0x1;
	s31 =	sshrl.u32 s9, $0x2;
	s12 =	sadd.s32 s7, s4  }
0xd: {  	s10 =	ssub.s32 s6, s10;
	s13 =	sadd.s32 s31, s2;
	s8 =	sadd.s32 s8, s4  }
0xe: {  	s4 =	sadd.s32 s5, s11;
	s11 =	sadd.s32 $0x128400, s2;
	s5 =	sadd.s32 $0x25080, s5  }
0xf: {  	s9 =	sadd.s32 $0x14200, s12;
	s10 =	smax.u32 s10, $0x1;
	s6 =	sadd.s32 $0xA200, s8  }
0x10: {  	s7 =	sadd.s32 $0x400, s8;
	s8 =	sadd.s32 $0x14000, s12;
	s12 =	sshll.u32 @!p0 s0, $0x6  }
0x11: {  	v0 =	vimm.f32 $1.000000000e+00;
	s13 =	sshrl.u32 @!p0 s13, $0x3;
	s11 =	sshrl.u32 @p0 s11, $0x3;
	s12 =	sor.u32 @!p0 $0x1C03, s12  }
.LBB2_1:
0x12: {  	s28 =	simm.s32 @p0 $0x1FC3  }
0x13: {  	[spmem:s11], [sflag:s28] =	dma.local @p0 [hbm:s5], $0x2080  }
0x14: {  	s28 =	simm.s32 @p0 $0x3  }
0x15: {  	_ =	swait.ge @p0 [sflag:s28], $0x2080  }
0x16: {  	[sflag:s28] =	ssyncset.done @p0 $0x0  }
0x17: {  	[sflag:s28] =	ssyncadd.s32 @p0 $0xFFFFDF80;
	s28 =	simm.s32 @!p0 $0x3  }
0x18: {  	[spmem:s13], [sflag:s12] =	dma.local @!p0 [hbm:s4], $0x2780  }
0x19: {  	_ =	swait.ge @!p0 [sflag:s28], $0x2780  }
0x1a: {  	[sflag:s28] =	ssyncset.done @!p0 $0x0  }
0x1b: {  	[sflag:s28] =	ssyncadd.s32 @!p0 $0xFFFFD880  }
0x1c: {  	[bflag:$0x0] =	sbarrier.arrive $0xFFFF  }
0x1d: {  	[tilespmem:s14], [sflag:$0x3] =	stream.linear.gather [hbm4b:s6+s3], $0x2710, $0x38;
	[tilespmem:$0x1D880] =	vst v63  }
0x1e: {  	_ =	swait.ge [sflag:s15], $0x2710  }
0x1f: {  	[sflag:s15] =	ssyncset.done $0x0  }
0x20: {  	[sflag:s15] =	ssyncadd.s32 $0xFFFFD8F0  }
0x21: {  	[tilespmem:s16], [sflag:$0x3] =	stream.linear.gather [hbm4b:s7+s3], $0x2710, $0x38;
	[tilespmem:$0x1D880] =	vst v63  }
0x22: {  	_ =	swait.ge [sflag:s15], $0x2710  }
0x23: {  	[sflag:s15] =	ssyncset.done $0x0  }
0x24: {  	[sflag:s15] =	ssyncadd.s32 $0xFFFFD8F0  }
0x25: {  	[tilespmem:s18], [sflag:$0x1] =	stream.indirect.gather [spmem:s2], $0x80, s14, s17, $0xb8;
	[tilespmem:$0x1D880] =	vst v63  }
0x26: {  	s29 =	simm.s32 $0x0  }
0x27: {  	[tilespmem:s19], [sflag:$0x1] =	stream.indirect.gather [spmem:s2], $0x80, s16, s17, $0xb8;
	[tilespmem:$0x1D880] =	vst v63  }
0x28: {  	v1 =	vld [tilespmem:s29+$0x13880]  }
0x29: {  	v3 =	vld [tilespmem:s29+$0x16000];
	_ =	sdelay $0x1  }
0x2a: {  	v7 =	vimm.f32 $0.0e+00;
	v2 =	vimm.f32 $0.0e+00;
	s28 =	simm.s32 $0x40  }
.LBB2_2:
0x2b: {  	p1 =	sne.s32 s28, $0x9C00  }
.Ltmp0:
0x2c: {  	s29 =	sshra.s32 s28, $0x2;
	(pc) =	sbr.rel @p1 .LBB2_2-.Ltmp0, $4  }
0x2d: {  	s28 =	sadd.s32 $0x40, s28;
	v4 =	vor.u32 v1, v3;
	v1 =	vld [tilespmem:s29+$0x13880]  }
0x2e: {  	v3 =	vld [tilespmem:s29+$0x16000];
	vm0 =	veq.s32 v4, $0x0  }
0x2f: {  	v4 =	vsel vm0, $0x0, v0  }
0x30: {  	v2 =	vadd.f32 v4, v2  }
0x31: {  	_ =	sdelay $0x1  }
0x32: {  	v4 =	vimm.f32 $0.0e+00;
	v1 =	vor.u32 v1, v3  }
0x33: {  	v5 =	vimm.f32 $0.0e+00;
	v9 =	vimm.f32 $0.0e+00;
	vm0 =	veq.s32 v1, $0x0  }
0x34: {  	v12 =	vimm.f32 $0.0e+00;
	v8 =	vimm.f32 $0.0e+00;
	v1 =	vsel vm0, $0x0, v0  }
0x35: {  	s28 =	simm.s32 $0x0;
	v3 =	vimm.f32 $0.0e+00;
	v1 =	vadd.f32 v1, v2;
	v2 =	vimm.f32 $0.0e+00  }
.LBB2_4:
0x36: {  	s29 =	smul.u32 $0x50, s28;
	_ =	sdelay $0x1  }
0x37: {  	s30 =	sadd.s32 $0x138A8, s29  }
0x38: {  	[tilespmem:s20], [sflag:$0x2] =	stream.indirect.gather [spmem:s2], $0x80, s30, s17, $0xb8;
	[tilespmem:$0x1D880] =	vst v63  }
0x39: {  	s30 =	sadd.s32 $0x16028, s29  }
0x3a: {  	[tilespmem:s21], [sflag:$0x2] =	stream.indirect.gather [spmem:s2], $0x80, s30, s17, $0xb8;
	[tilespmem:$0x1D880] =	vst v63  }
0x3b: {  	_ =	swait.ge [sflag:s22], $0x1400  }
0x3c: {  	[sflag:s22] =	ssyncset.done $0x0  }
0x3d: {  	[sflag:s22] =	ssyncadd.s32 $0xFFFFEC00  }
0x3e: {  	_ =	swait.ge [sflag:s22], $0x1400  }
0x3f: {  	[sflag:s22] =	ssyncset.done $0x0  }
0x40: {  	s31 =	simm.s32 $0x0;
	[sflag:s22] =	ssyncadd.s32 $0xFFFFEC00  }
0x41: {  	v6 =	vld [tilespmem:s31+$0x187F0]  }
0x42: {  	v10 =	vld [tilespmem:s31+$0x19BF0]  }
0x43: {  	v11 =	vld [tilespmem:s31+$0x18780]  }
0x44: {  	v13 =	vld [tilespmem:s31+$0x19B80]  }
0x45: {  	v14 =	vld [tilespmem:s31+$0x18790]  }
0x46: {  	v15 =	vld [tilespmem:s31+$0x19B90]  }
0x47: {  	v16 =	vld [tilespmem:s31+$0x187A0]  }
0x48: {  	v17 =	vld [tilespmem:s31+$0x19BA0]  }
0x49: {  	v18 =	vld [tilespmem:s31+$0x187B0]  }
0x4a: {  	v19 =	vld [tilespmem:s31+$0x19BB0]  }
0x4b: {  	v20 =	vld [tilespmem:s31+$0x187C0];
	v6 =	vsub.f32 v6, v10  }
0x4c: {  	v21 =	vld [tilespmem:s31+$0x19BC0];
	v11 =	vsub.f32 v11, v13;
	v13 =	vsub.f32 v14, v15  }
0x4d: {  	v14 =	vsub.f32 v16, v17;
	v10 =	vld [tilespmem:s31+$0x187D0];
	v6 =	vmul.f32 v6, v6  }
0x4e: {  	v15 =	vmul.f32 v11, v11;
	v16 =	vmul.f32 v13, v13;
	v13 =	vld [tilespmem:s31+$0x19BD0]  }
0x4f: {  	v18 =	vsub.f32 v18, v19;
	v17 =	vmul.f32 v14, v14;
	v11 =	vld [tilespmem:s31+$0x187E0];
	v6 =	vadd.f32 v6, v7  }
0x50: {  	s30 =	simm.s32 $0x80;
	v14 =	vld [tilespmem:s31+$0x19BE0];
	v7 =	vadd.f32 v15, v8;
	v8 =	vadd.f32 v16, v12  }
0x51: {  	s31 =	simm.s32 $0x400;
	v12 =	vld [tilespmem:s30+$0x187F0];
	v9 =	vadd.f32 v17, v9;
	v15 =	vmul.f32 v18, v18;
	v16 =	vsub.f32 v20, v21  }
.LBB2_5:
0x52: {  	p1 =	sne.s32 s31, $0x4E00;
	v17 =	vld [tilespmem:s30+$0x19BF0]  }
0x53: {  	v18 =	vld [tilespmem:s30+$0x18780];
	v5 =	vadd.f32 v15, v5;
	v15 =	vmul.f32 v16, v16;
	v10 =	vsub.f32 v10, v13  }
0x54: {  	v13 =	vld [tilespmem:s30+$0x19B80]  }
0x55: {  	v16 =	vld [tilespmem:s30+$0x18790];
	v4 =	vadd.f32 v15, v4;
	v10 =	vmul.f32 v10, v10;
	v11 =	vsub.f32 v11, v14  }
0x56: {  	v14 =	vld [tilespmem:s30+$0x19B90]  }
0x57: {  	v15 =	vld [tilespmem:s30+$0x187A0];
	v12 =	vsub.f32 v12, v17;
	v3 =	vadd.f32 v10, v3;
	v10 =	vmul.f32 v11, v11  }
0x58: {  	v11 =	vld [tilespmem:s30+$0x19BA0]  }
0x59: {  	v13 =	vsub.f32 v18, v13;
	v17 =	vld [tilespmem:s30+$0x187B0];
	v12 =	vmul.f32 v12, v12;
	v2 =	vadd.f32 v10, v2  }
0x5a: {  	v18 =	vld [tilespmem:s30+$0x19BB0]  }
0x5b: {  	v10 =	vmul.f32 v13, v13;
	v13 =	vsub.f32 v16, v14;
	v16 =	vld [tilespmem:s30+$0x187C0];
	v6 =	vadd.f32 v12, v6  }
0x5c: {  	v19 =	vld [tilespmem:s30+$0x19BC0]  }
.Ltmp1:
0x5d: {  	v7 =	vadd.f32 v10, v7;
	v12 =	vmul.f32 v13, v13;
	v11 =	vsub.f32 v15, v11;
	v10 =	vld [tilespmem:s30+$0x187D0];
	(pc) =	sbr.rel @p1 .LBB2_5-.Ltmp1, $4  }
0x5e: {  	v13 =	vld [tilespmem:s30+$0x19BD0]  }
0x5f: {  	v8 =	vadd.f32 v12, v8;
	v15 =	vmul.f32 v11, v11;
	v17 =	vsub.f32 v17, v18;
	v11 =	vld [tilespmem:s30+$0x187E0]  }
0x60: {  	v14 =	vld [tilespmem:s30+$0x19BE0];
	s30 =	sshra.s32 s31, $0x2  }
0x61: {  	s31 =	sadd.s32 $0x200, s31;
	v12 =	vld [tilespmem:s30+$0x187F0];
	v9 =	vadd.f32 v15, v9;
	v15 =	vmul.f32 v17, v17;
	v16 =	vsub.f32 v16, v19  }
0x62: {  	v17 =	vld [tilespmem:s30+$0x19BF0]  }
0x63: {  	v18 =	vld [tilespmem:s30+$0x18780]  }
0x64: {  	v19 =	vld [tilespmem:s30+$0x19B80]  }
0x65: {  	v20 =	vld [tilespmem:s30+$0x18790]  }
0x66: {  	v21 =	vld [tilespmem:s30+$0x19B90]  }
0x67: {  	v22 =	vld [tilespmem:s30+$0x187A0]  }
0x68: {  	v23 =	vld [tilespmem:s30+$0x19BA0]  }
0x69: {  	v24 =	vld [tilespmem:s30+$0x187B0]  }
0x6a: {  	v25 =	vld [tilespmem:s30+$0x19BB0]  }
0x6b: {  	v26 =	vld [tilespmem:s30+$0x187C0]  }
0x6c: {  	v27 =	vld [tilespmem:s30+$0x19BC0]  }
0x6d: {  	v28 =	vld [tilespmem:s30+$0x187D0]  }
0x6e: {  	v29 =	vld [tilespmem:s30+$0x19BD0]  }
0x6f: {  	v30 =	vld [tilespmem:s30+$0x187E0];
	p1 =	seq.s32 s28, $0x7C  }
0x70: {  	v31 =	vld [tilespmem:s30+$0x19BE0];
	s30 =	sadd.s32 @!p1 $0x138D0, s29;
	s31 =	simm.s32 @!p1 $0x28;
	s1 =	simm.s32 @!p1 $0x18780  }
0x71: {  	[tilespmem:s1], [sflag:$0x1] =	stream.indirect.gather @!p1 [spmem:s2], $0x80, s30, s31, $0xb8;
	[tilespmem:$0x1D880] =	vst v63  }
0x72: {  	s1 =	sadd.s32 @!p1 $0x16050, s29;
	s29 =	simm.s32 @!p1 $0x19B80  }
0x73: {  	[tilespmem:s29], [sflag:$0x1] =	stream.indirect.gather @!p1 [spmem:s2], $0x80, s1, s31, $0xb8;
	[tilespmem:$0x1D880] =	vst v63  }
0x74: {  	_ =	swait.ge [sflag:s23], $0x1400  }
0x75: {  	[sflag:s23] =	ssyncset.done $0x0  }
0x76: {  	[sflag:s23] =	ssyncadd.s32 $0xFFFFEC00  }
0x77: {  	_ =	swait.ge [sflag:s23], $0x1400  }
0x78: {  	v10 =	vsub.f32 v10, v13;
	[sflag:s23] =	ssyncset.done $0x0  }
0x79: {  	v13 =	vmul.f32 v16, v16;
	s31 =	simm.s32 $0x0;
	[sflag:s23] =	ssyncadd.s32 $0xFFFFEC00  }
0x7a: {  	v10 =	vmul.f32 v10, v10;
	v11 =	vsub.f32 v11, v14;
	v14 =	vld [tilespmem:s31+$0x1AFF0]  }
0x7b: {  	v5 =	vadd.f32 v15, v5;
	v4 =	vadd.f32 v13, v4;
	v13 =	vld [tilespmem:s31+$0x1C3F0]  }
0x7c: {  	v12 =	vsub.f32 v12, v17;
	v10 =	vadd.f32 v10, v3;
	v3 =	vmul.f32 v11, v11;
	v11 =	vld [tilespmem:s31+$0x1AF80]  }
0x7d: {  	v15 =	vsub.f32 v18, v19;
	v16 =	vsub.f32 v20, v21;
	v17 =	vld [tilespmem:s31+$0x1C380]  }
0x7e: {  	v18 =	vadd.f32 v3, v2;
	v2 =	vmul.f32 v12, v12;
	v3 =	vsub.f32 v22, v23;
	v12 =	vld [tilespmem:s31+$0x1AF90]  }
0x7f: {  	v19 =	vsub.f32 v24, v25;
	v15 =	vmul.f32 v15, v15;
	v16 =	vmul.f32 v16, v16;
	v59 =	vld [tilespmem:s31+$0x1C390]  }
0x80: {  	v6 =	vadd.f32 v2, v6;
	v2 =	vmul.f32 v3, v3;
	v3 =	vsub.f32 v26, v27;
	v60 =	vld [tilespmem:s31+$0x1AFA0]  }
0x81: {  	v15 =	vadd.f32 v15, v7;
	v16 =	vadd.f32 v16, v8;
	v7 =	vmul.f32 v19, v19;
	v8 =	vld [tilespmem:s31+$0x1C3A0]  }
0x82: {  	v19 =	vadd.f32 v2, v9;
	v3 =	vmul.f32 v3, v3;
	v9 =	vsub.f32 v28, v29;
	v61 =	vld [tilespmem:s31+$0x1AFB0]  }
0x83: {  	v2 =	vadd.f32 v7, v5;
	v5 =	vsub.f32 v30, v31;
	v62 =	vld [tilespmem:s31+$0x1C3B0]  }
0x84: {  	v63 =	vld [tilespmem:s31+$0x1AFC0];
	v3 =	vadd.f32 v3, v4;
	v4 =	vmul.f32 v9, v9;
	v7 =	vsub.f32 v14, v13  }
0x85: {  	v5 =	vmul.f32 v5, v5;
	v9 =	vsub.f32 v11, v17;
	v11 =	vsub.f32 v12, v59;
	v17 =	vld [tilespmem:s31+$0x1C3C0]  }
0x86: {  	v4 =	vadd.f32 v4, v10;
	v10 =	vld [tilespmem:s31+$0x1AFD0];
	v13 =	vsub.f32 v60, v8;
	v12 =	vmul.f32 v7, v7  }
0x87: {  	v7 =	vadd.f32 v5, v18;
	v5 =	vmul.f32 v9, v9;
	v14 =	vmul.f32 v11, v11;
	v11 =	vld [tilespmem:s31+$0x1C3D0]  }
0x88: {  	v18 =	vsub.f32 v61, v62;
	v8 =	vadd.f32 v12, v6;
	v6 =	vmul.f32 v13, v13;
	v12 =	vld [tilespmem:s31+$0x1AFE0]  }
0x89: {  	s29 =	simm.s32 $0x80;
	v9 =	vadd.f32 v5, v15;
	v5 =	vadd.f32 v14, v16;
	v14 =	vld [tilespmem:s31+$0x1C3E0]  }
0x8a: {  	s30 =	simm.s32 $0x400;
	v13 =	vld [tilespmem:s29+$0x1AFF0];
	v15 =	vmul.f32 v18, v18;
	v16 =	vsub.f32 v63, v17;
	v6 =	vadd.f32 v6, v19  }
.LBB2_7:
0x8b: {  	p1 =	sne.s32 s30, $0x4E00;
	v17 =	vld [tilespmem:s29+$0x1C3F0]  }
0x8c: {  	v18 =	vld [tilespmem:s29+$0x1AF80];
	v2 =	vadd.f32 v15, v2;
	v15 =	vmul.f32 v16, v16;
	v10 =	vsub.f32 v10, v11  }
0x8d: {  	v11 =	vld [tilespmem:s29+$0x1C380]  }
0x8e: {  	v16 =	vld [tilespmem:s29+$0x1AF90];
	v3 =	vadd.f32 v15, v3;
	v10 =	vmul.f32 v10, v10;
	v12 =	vsub.f32 v12, v14  }
0x8f: {  	v14 =	vld [tilespmem:s29+$0x1C390]  }
0x90: {  	v15 =	vld [tilespmem:s29+$0x1AFA0];
	v13 =	vsub.f32 v13, v17;
	v4 =	vadd.f32 v10, v4;
	v10 =	vmul.f32 v12, v12  }
0x91: {  	v12 =	vld [tilespmem:s29+$0x1C3A0]  }
0x92: {  	v11 =	vsub.f32 v18, v11;
	v17 =	vld [tilespmem:s29+$0x1AFB0];
	v13 =	vmul.f32 v13, v13;
	v7 =	vadd.f32 v10, v7  }
0x93: {  	v18 =	vld [tilespmem:s29+$0x1C3B0]  }
0x94: {  	v10 =	vmul.f32 v11, v11;
	v11 =	vsub.f32 v16, v14;
	v16 =	vld [tilespmem:s29+$0x1AFC0];
	v8 =	vadd.f32 v13, v8  }
0x95: {  	v19 =	vld [tilespmem:s29+$0x1C3C0]  }
.Ltmp2:
0x96: {  	v9 =	vadd.f32 v10, v9;
	v13 =	vmul.f32 v11, v11;
	v12 =	vsub.f32 v15, v12;
	v10 =	vld [tilespmem:s29+$0x1AFD0];
	(pc) =	sbr.rel @p1 .LBB2_7-.Ltmp2, $4  }
0x97: {  	v11 =	vld [tilespmem:s29+$0x1C3D0]  }
0x98: {  	v5 =	vadd.f32 v13, v5;
	v15 =	vmul.f32 v12, v12;
	v17 =	vsub.f32 v17, v18;
	v12 =	vld [tilespmem:s29+$0x1AFE0]  }
0x99: {  	v14 =	vld [tilespmem:s29+$0x1C3E0];
	s29 =	sshra.s32 s30, $0x2  }
0x9a: {  	s30 =	sadd.s32 $0x200, s30;
	v13 =	vld [tilespmem:s29+$0x1AFF0];
	v6 =	vadd.f32 v15, v6;
	v15 =	vmul.f32 v17, v17;
	v16 =	vsub.f32 v16, v19  }
0x9b: {  	v17 =	vld [tilespmem:s29+$0x1C3F0]  }
0x9c: {  	v18 =	vld [tilespmem:s29+$0x1AF80]  }
0x9d: {  	v19 =	vld [tilespmem:s29+$0x1C380]  }
0x9e: {  	v20 =	vld [tilespmem:s29+$0x1AF90]  }
0x9f: {  	v21 =	vld [tilespmem:s29+$0x1C390]  }
0xa0: {  	v22 =	vld [tilespmem:s29+$0x1AFA0]  }
0xa1: {  	v23 =	vld [tilespmem:s29+$0x1C3A0]  }
0xa2: {  	v24 =	vld [tilespmem:s29+$0x1AFB0]  }
0xa3: {  	v25 =	vld [tilespmem:s29+$0x1C3B0]  }
0xa4: {  	v26 =	vld [tilespmem:s29+$0x1AFC0]  }
0xa5: {  	v27 =	vld [tilespmem:s29+$0x1C3C0]  }
0xa6: {  	v61 =	vld [tilespmem:s29+$0x1C3D0];
	v10 =	vsub.f32 v10, v11  }
0xa7: {  	v63 =	vld [tilespmem:s29+$0x1AFE0];
	v11 =	vsub.f32 v12, v14;
	v14 =	vmul.f32 v16, v16;
	v13 =	vsub.f32 v13, v17  }
0xa8: {  	v2 =	vadd.f32 v15, v2;
	v12 =	vld [tilespmem:s29+$0x1AFD0];
	v10 =	vmul.f32 v10, v10;
	v62 =	vsub.f32 v18, v19  }
0xa9: {  	v11 =	vmul.f32 v11, v11;
	v3 =	vadd.f32 v14, v3;
	v14 =	vld [tilespmem:s29+$0x1C3E0];
	v13 =	vmul.f32 v13, v13  }
0xaa: {  	v10 =	vadd.f32 v10, v4;
	v15 =	vsub.f32 v20, v21;
	v4 =	vmul.f32 v62, v62  }
0xab: {  	v11 =	vadd.f32 v11, v7;
	v7 =	vadd.f32 v13, v8  }
0xac: {  	s28 =	sadd.s32 $0x1, s28;
	v8 =	vadd.f32 v4, v9;
	v4 =	vsub.f32 v22, v23  }
0xad: {  	p1 =	sne.s32 s28, $0x7D;
	v9 =	vsub.f32 v24, v25;
	v13 =	vmul.f32 v15, v15;
	v15 =	vsub.f32 v26, v27  }
.Ltmp3:
0xae: {  	v16 =	vsub.f32 v12, v61;
	v14 =	vsub.f32 v63, v14;
	v4 =	vmul.f32 v4, v4;
	(pc) =	sbr.rel @p1 .LBB2_4-.Ltmp3, $4  }
0xaf: {  	v12 =	vadd.f32 v13, v5;
	v5 =	vmul.f32 v9, v9;
	v13 =	vmul.f32 v15, v15  }
0xb0: {  	v14 =	vmul.f32 v14, v14;
	v9 =	vadd.f32 v4, v6;
	v6 =	vmul.f32 v16, v16  }
0xb1: {  	v5 =	vadd.f32 v5, v2;
	v4 =	vadd.f32 v13, v3  }
0xb2: {  	v2 =	vadd.f32 v14, v11;
	v3 =	vadd.f32 v6, v10  }
0xb3: {  	v6 =	vadd.f32 v12, v8;
	_ =	sdelay $0x1  }
0xb4: {  	v6 =	vadd.f32 v9, v6;
	_ =	sdelay $0x1  }
0xb5: {  	v5 =	vadd.f32 v5, v6;
	_ =	sdelay $0x1  }
0xb6: {  	v4 =	vadd.f32 v4, v5;
	_ =	sdelay $0x1  }
0xb7: {  	v3 =	vadd.f32 v3, v4;
	_ =	sdelay $0x1  }
0xb8: {  	v2 =	vadd.f32 v2, v3;
	_ =	sdelay $0x1  }
0xb9: {  	v2 =	vadd.f32 v7, v2  }
0xba: {  	[tilespmem:$0x1D800] =	vst v1  }
0xbb: {  	[tilespmem:$0x1D780] =	vst v2  }
0xbc: {  	[hbm4b:s8+s3] =	stream.linear.scatter [tilespmem:s24], [sflag:$0x3], $0x80, $0x38;
	[tilespmem:$0x1D880] =	vst v63  }
0xbd: {  	s26 =	sadd.s32 $0x1, s26;
	_ =	swait.ge [sflag:s15], $0x80  }
0xbe: {  	p1 =	sne.s32 s26, s10;
	[sflag:s15] =	ssyncset.done $0x0  }
.Ltmp4:
0xbf: {  	[sflag:s15] =	ssyncadd.s32 $0xFFFFFF80;
	(pc) =	sbr.rel @p1 .LBB2_1-.Ltmp4, $4  }
0xc0: {  	[hbm4b:s9+s3] =	stream.linear.scatter [tilespmem:s25], [sflag:$0x3], $0x80, $0x38;
	[tilespmem:$0x1D880] =	vst v63  }
0xc1: {  	_ =	swait.ge [sflag:s15], $0x80  }
0xc2: {  	[sflag:s15] =	ssyncset.done $0x0  }
0xc3: {  	[sflag:s15] =	ssyncadd.s32 $0xFFFFFF80  }
0xc4: {  	_ =	sfence.sel $0x180000  }
0xc5: {  	[bflag:$0x0] =	sbarrier.arrive $0xFFFF  }
0xc6: {  	_ =	strace $0x90000047  }
0xc7: {  	[bflag:$0x2] =	sbarrier.arrive $0xFFFF  }
0xc8: {  	p0 =	sne.s32 s0, $0x0;
	s0 =	rddreg [dreg:$0x3]  }
0xc9: {  	s0 =	sadd.s32 @!p0 $0x100000, s0  }
0xca: {  	[sflag:s0] =	ssyncadd.tile.s32 @!p0 $0x1;
	_ =	shalt  }
.Lfunc_end2:
_tile_overlayer_lowered:
.L_overlay_start_2:
0xcb: {  	(tag) =	ssettag $0x2  }
0xcc: {  	s0 =	rddreg [dreg:$0x0];
	s2 =	stileid.u32  }
0xcd: {  	s1 =	rddreg [dreg:$0x1];
	p0 =	sne.s32 s2, $0x0  }
0xce: {  	s3 =	rddreg [dreg:$0x2];
	[bflag:$0x3] =	sbarrier.arrive $0xFFFF;
	s2 =	simm.s32 @!p0 $0x1C03  }
0xcf: {  	[timem:s3], [sflag:s2] =	dma.local @!p0 [hbm:s0], s1  }
0xd0: {  	s0 =	simm.s32 @!p0 $0x3  }
0xd1: {  	_ =	swait.ge @!p0 [sflag:s0], s1  }
0xd2: {  	s1 =	ssub.s32 @!p0 $0x0, s1;
	[sflag:s0] =	ssyncset.done @!p0 $0x0  }
0xd3: {  	[sflag:s0] =	ssyncadd.s32 @!p0 s1  }
0xd4: {  	[bflag:$0x3] =	sbarrier.arrive $0xFFFF  }
0xd5: {  	_ =	shalt  }

</sc_bundles>
